<compile_context>
chip_gen: v7x
topology: tpu7x:2x2x1
jax: 0.10.2.dev20260603
libtpu: 0.0.44.dev20260713+nightly
codegen_flags: <defaults>
</compile_context>

<pallas_src>
import functools

import jax
import jax.numpy as jnp
from jax import lax
from jax.experimental import pallas as pl
from jax.experimental.pallas import tpu as pltpu
from jax.experimental.pallas import tpu_sc as plsc

B = 2
N = 10000
E = 160000
D = 128

NC = 2
NS = 16
NW = NC * NS
ROWS_W = (B * E) // NW
CH = 80
NCH = ROWS_W // CH


def _build_gather():
  mesh = plsc.VectorSubcoreMesh(core_axis_name="c", subcore_axis_name="s")

  @functools.partial(
      pl.kernel,
      mesh=mesh,
      out_type=jax.ShapeDtypeStruct((B * E, D), jnp.float32),
      scratch_types=[
          pltpu.VMEM((ROWS_W,), jnp.int32),
          pltpu.VMEM((4, CH, D), jnp.float32),
          pltpu.VMEM_SHARED((N, D), jnp.float32),
          pltpu.SemaphoreType.DMA,
          pltpu.SemaphoreType.DMA,
          pltpu.SemaphoreType.DMA,
          pltpu.SemaphoreType.DMA,
          pltpu.SemaphoreType.DMA,
          pltpu.SemaphoreType.DMA,
          pltpu.SemaphoreType.DMA,
          pltpu.SemaphoreType.DMA,
          pltpu.SemaphoreType.DMA,
      ],
  )
  def gather_kernel(hv, idx_hbm, out_hbm, idx_v, bufs, table_sp, gs0, gs1,
                    gs2, gs3, ss0, ss1, ss2, ss3, tsem):
    c = lax.axis_index("c")
    s = lax.axis_index("s")
    base = c * E + s * ROWS_W
    rows_stage = (N // NS) // 8 * 8
    tail = N - NS * rows_stage
    stage_main = pltpu.make_async_copy(
        hv.at[c].at[pl.ds(s * rows_stage, rows_stage)],
        table_sp.at[pl.ds(s * rows_stage, rows_stage)],
        tsem,
    )
    stage_main.start()

    @pl.when(s == 0)
    def _():
      pltpu.make_async_copy(
          hv.at[c].at[pl.ds(NS * rows_stage, tail)],
          table_sp.at[pl.ds(NS * rows_stage, tail)],
          tsem,
      ).start()

    pltpu.sync_copy(idx_hbm.at[pl.ds(base, ROWS_W)], idx_v)

    def stage_wait():
      stage_main.wait()

      @pl.when(s == 0)
      def _():
        pltpu.make_async_copy(
            hv.at[c].at[pl.ds(NS * rows_stage, tail)],
            table_sp.at[pl.ds(NS * rows_stage, tail)],
            tsem,
        ).wait()

      plsc.subcore_barrier()

    gsems = (gs0, gs1, gs2, gs3)
    ssems = (ss0, ss1, ss2, ss3)

    def run(table, table_hbm):
      def g_start(j, b, tab=None):
        pltpu.make_async_copy(
            (table if tab is None else tab).at[idx_v.at[pl.ds(j * CH, CH)]],
            bufs.at[b],
            gsems[b],
        ).start()

      def g_wait(b):
        pltpu.make_async_copy(
            table.at[idx_v.at[pl.ds(0, CH)]], bufs.at[b], gsems[b]
        ).wait()

      def s_start(j, b):
        pltpu.make_async_copy(
            bufs.at[b], out_hbm.at[pl.ds(base + j * CH, CH)], ssems[b]
        ).start()

      def s_wait(b):
        pltpu.make_async_copy(
            bufs.at[b], out_hbm.at[pl.ds(base, CH)], ssems[b]
        ).wait()

      g_start(0, 0, table_hbm)
      g_start(1, 1, table_hbm)
      g_start(2, 2, table_hbm)
      g_wait(0)
      s_start(0, 0)
      g_start(3, 3, table_hbm)
      g_wait(1)
      s_start(1, 1)
      stage_wait()

      def body(jj, carry):
        m0 = 2 + 4 * jj
        for k in range(4):
          m = m0 + k
          b = (2 + k) % 4
          bn = (b + 2) % 4
          s_wait(bn)
          g_start(m + 2, bn)
          g_wait(b)
          s_start(m, b)
        return carry

      lax.fori_loop(0, (NCH - 5) // 4, body, 0)

      s_wait(0)
      g_start(NCH - 1, 0)
      g_wait(2)
      s_start(NCH - 3, 2)
      g_wait(3)
      s_start(NCH - 2, 3)
      g_wait(0)
      s_start(NCH - 1, 0)
      s_wait(1)
      s_wait(2)
      s_wait(3)
      s_wait(0)

    run(table_sp, hv.at[c])

  return gather_kernel


_gather = _build_gather()


@jax.jit
def kernel(h_v, edge_input):
  idx = edge_input[:, :, 1].astype(jnp.int32).reshape(-1)
  out = _gather(h_v, idx)
  return out.reshape(B, E, D)

# --- scband reference (transcript-rebuilt; emitter-appended) ---
"""Pipeline reference for scband-gather-neighbor-feature-layer-61710090109691 (READ-ONLY COPY).

The authoritative reference and input builder live on the scoring server;
editing this copy changes nothing except your own understanding.
"""

import jax, jax.numpy as jnp
import numpy as np

def setup_inputs(seed: int = 0) -> dict:
    key = jax.random.key(seed)
    k1, k2 = jax.random.split(key)
    h_v = jax.random.normal(k1, (2, 10000, 128), dtype=jnp.float32)
    edge_input = jax.random.randint(k2, (2, 160000, 2), 0, 10000, dtype=jnp.int64)
    return {"h_v": h_v, "edge_input": edge_input}

def reference(h_v, edge_input):
    # target_indices = edge_input[:, :, 1]; gather with batch_dims=1
    target_indices = edge_input[:, :, 1]
    h_w = jax.vmap(lambda h, idx: jnp.take(h, idx, axis=0))(h_v, target_indices)
    return h_w

if __name__ == "__main__":
    import jax
    _d = setup_inputs()
    print(jax.jit(kernel)(*tuple(_d.values())))

</pallas_src>

<mosaic_0001>
#map = affine_map<(d0, d1) -> (0, 0, 0)>
#map1 = affine_map<(d0, d1) -> (0)>
#map2 = affine_map<(d0, d1) -> (0, 0)>
module attributes {stable_mosaic.version = 14 : i64} {
  func.func @gather_kernel(%arg0: i32, %arg1: i32, %arg2: memref<2x10000x128xf32, #tpu.memory_space<hbm>>, %arg3: memref<320000xi32, #tpu.memory_space<hbm>>, %arg4: memref<320000x128xf32, #tpu.memory_space<hbm>>, %arg5: memref<10000xi32, #tpu.memory_space<vmem>>, %arg6: memref<4x80x128xf32, #tpu.memory_space<vmem>>, %arg7: memref<10000x128xf32, #tpu.memory_space<vmem_shared>>, %arg8: memref<!tpu.dma_semaphore, #tpu.memory_space<semaphore_mem>>, %arg9: memref<!tpu.dma_semaphore, #tpu.memory_space<semaphore_mem>>, %arg10: memref<!tpu.dma_semaphore, #tpu.memory_space<semaphore_mem>>, %arg11: memref<!tpu.dma_semaphore, #tpu.memory_space<semaphore_mem>>, %arg12: memref<!tpu.dma_semaphore, #tpu.memory_space<semaphore_mem>>, %arg13: memref<!tpu.dma_semaphore, #tpu.memory_space<semaphore_mem>>, %arg14: memref<!tpu.dma_semaphore, #tpu.memory_space<semaphore_mem>>, %arg15: memref<!tpu.dma_semaphore, #tpu.memory_space<semaphore_mem>>, %arg16: memref<!tpu.dma_semaphore, #tpu.memory_space<semaphore_mem>>) attributes {dimension_semantics = [#tpu.dimension_semantics<core_parallel>, #tpu.dimension_semantics<subcore_parallel>], iteration_bounds = array<i64: 2, 16>, scalar_prefetch = 0 : i64, scratch_operands = 12 : i64, tpu.core_type = #tpu.core_type<sc_vector_subcore>, window_params = [{transform_indices = #map}, {transform_indices = #map1}, {transform_indices = #map2}]} {
    %mul3A = arith.constant 160000 : i32
    %mul3A_0 = arith.muli %arg0, %mul3A : i32
    %mul3A_1 = arith.constant 10000 : i32
    %mul3A_2 = arith.muli %arg1, %mul3A_1 : i32
    %add3A = arith.addi %mul3A_0, %mul3A_2 : i32
    %mul3A_3 = arith.constant 624 : i32
    %mul3A_4 = arith.muli %arg1, %mul3A_3 : i32
    %mul3A_5 = arith.constant 624 : i32
    %mul3A_6 = arith.muli %arg1, %mul3A_5 : i32
    %dma_start3A = arith.constant 0 : i32
    %dma_start3A_7 = tpu.memref_slice %arg7[%mul3A_6, %dma_start3A] : memref<10000x128xf32, #tpu.memory_space<vmem_shared>> -> memref<624x128xf32, #tpu.memory_space<vmem_shared>>
    %dma_start3A_8 = arith.constant 0 : i32
    %dma_start3A_9 = arith.constant 0 : i32
    %dma_start3A_10 = tpu.memref_slice %arg2[%arg0, %dma_start3A_8, %dma_start3A_9] : memref<2x10000x128xf32, #tpu.memory_space<hbm>> -> memref<1x10000x128xf32, #tpu.memory_space<hbm>>
    %dma_start3A_11 = tpu.memref_squeeze %dma_start3A_10 : memref<1x10000x128xf32, #tpu.memory_space<hbm>> -> memref<10000x128xf32, #tpu.memory_space<hbm>>
    %dma_start3A_12 = arith.constant 0 : i32
    %dma_start3A_13 = tpu.memref_slice %dma_start3A_11[%mul3A_4, %dma_start3A_12] : memref<10000x128xf32, #tpu.memory_space<hbm>> -> memref<624x128xf32, #tpu.memory_space<hbm>>
    tpu.enqueue_dma source(%dma_start3A_13 : memref<624x128xf32, #tpu.memory_space<hbm>>) target(%dma_start3A_7 : memref<624x128xf32, #tpu.memory_space<vmem_shared>>) target_semaphore(%arg16 : memref<!tpu.dma_semaphore, #tpu.memory_space<semaphore_mem>>)
    %eq3A = arith.constant 0 : i32
    %eq3A_14 = arith.cmpi eq, %arg1, %eq3A : i32
    %convert_element_type3A = arith.extui %eq3A_14 : i1 to i32
    %cond3A = arith.constant 0 : i32
    %cond3A_15 = arith.cmpi ne, %convert_element_type3A, %cond3A : i32
    scf.if %cond3A_15 {
      %dma_start3A_289 = arith.constant 9984 : i32
      %dma_start3A_290 = arith.constant 0 : i32
      %dma_start3A_291 = tpu.memref_slice %arg7[%dma_start3A_289, %dma_start3A_290] : memref<10000x128xf32, #tpu.memory_space<vmem_shared>> -> memref<16x128xf32, #tpu.memory_space<vmem_shared>>
      %dma_start3A_292 = arith.constant 0 : i32
      %dma_start3A_293 = arith.constant 0 : i32
      %dma_start3A_294 = tpu.memref_slice %arg2[%arg0, %dma_start3A_292, %dma_start3A_293] : memref<2x10000x128xf32, #tpu.memory_space<hbm>> -> memref<1x10000x128xf32, #tpu.memory_space<hbm>>
      %dma_start3A_295 = tpu.memref_squeeze %dma_start3A_294 : memref<1x10000x128xf32, #tpu.memory_space<hbm>> -> memref<10000x128xf32, #tpu.memory_space<hbm>>
      %dma_start3A_296 = arith.constant 9984 : i32
      %dma_start3A_297 = arith.constant 0 : i32
      %dma_start3A_298 = tpu.memref_slice %dma_start3A_295[%dma_start3A_296, %dma_start3A_297] : memref<10000x128xf32, #tpu.memory_space<hbm>> -> memref<16x128xf32, #tpu.memory_space<hbm>>
      tpu.enqueue_dma source(%dma_start3A_298 : memref<16x128xf32, #tpu.memory_space<hbm>>) target(%dma_start3A_291 : memref<16x128xf32, #tpu.memory_space<vmem_shared>>) target_semaphore(%arg16 : memref<!tpu.dma_semaphore, #tpu.memory_space<semaphore_mem>>)
    } else {
    }
    "tpu.region"() ({
      %run_scoped3A = tpu.sem_alloc : memref<!tpu.dma_semaphore, #tpu.memory_space<semaphore_mem>>
      %dma_start3A_289 = tpu.memref_slice %arg3[%add3A] : memref<320000xi32, #tpu.memory_space<hbm>> -> memref<10000xi32, #tpu.memory_space<hbm>>
      %dma_start3A_290 = tpu.memref_slice %arg3[%add3A] : memref<320000xi32, #tpu.memory_space<hbm>> -> memref<10000xi32, #tpu.memory_space<hbm>>
      tpu.enqueue_dma source(%dma_start3A_290 : memref<10000xi32, #tpu.memory_space<hbm>>) target(%arg5 : memref<10000xi32, #tpu.memory_space<vmem>>) target_semaphore(%run_scoped3A : memref<!tpu.dma_semaphore, #tpu.memory_space<semaphore_mem>>)
      %dma_wait3A_291 = tpu.memref_slice %arg3[%add3A] : memref<320000xi32, #tpu.memory_space<hbm>> -> memref<10000xi32, #tpu.memory_space<hbm>>
      %dma_wait3A_292 = tpu.memref_slice %arg3[%add3A] : memref<320000xi32, #tpu.memory_space<hbm>> -> memref<10000xi32, #tpu.memory_space<hbm>>
      tpu.wait_dma2 semaphore(%run_scoped3A : memref<!tpu.dma_semaphore, #tpu.memory_space<semaphore_mem>>) src(%dma_wait3A_292 : memref<10000xi32, #tpu.memory_space<hbm>>) dst(%arg5 : memref<10000xi32, #tpu.memory_space<vmem>>)
      tpu.yield
    }) : () -> ()
    %dma_start3A_16 = arith.constant 0 : i32
    %dma_start3A_17 = arith.constant 0 : i32
    %dma_start3A_18 = arith.constant 0 : i32
    %dma_start3A_19 = tpu.memref_slice %arg6[%dma_start3A_16, %dma_start3A_17, %dma_start3A_18] : memref<4x80x128xf32, #tpu.memory_space<vmem>> -> memref<1x80x128xf32, #tpu.memory_space<vmem>>
    %dma_start3A_20 = tpu.memref_squeeze %dma_start3A_19 : memref<1x80x128xf32, #tpu.memory_space<vmem>> -> memref<80x128xf32, #tpu.memory_space<vmem>>
    %dma_start3A_21 = arith.constant 0 : i32
    %dma_start3A_22 = tpu.memref_slice %arg5[%dma_start3A_21] : memref<10000xi32, #tpu.memory_space<vmem>> -> memref<80xi32, #tpu.memory_space<vmem>>
    %dma_start3A_23 = arith.constant 0 : i32
    %dma_start3A_24 = arith.constant 0 : i32
    %dma_start3A_25 = tpu.memref_slice %arg2[%arg0, %dma_start3A_23, %dma_start3A_24] : memref<2x10000x128xf32, #tpu.memory_space<hbm>> -> memref<1x10000x128xf32, #tpu.memory_space<hbm>>
    %dma_start3A_26 = tpu.memref_squeeze %dma_start3A_25 : memref<1x10000x128xf32, #tpu.memory_space<hbm>> -> memref<10000x128xf32, #tpu.memory_space<hbm>>
    %dma_start3A_27 = arith.constant 0 : i32
    %dma_start3A_28 = arith.constant 0 : i32
    %dma_start3A_29 = tpu.memref_slice %dma_start3A_26[%dma_start3A_27, %dma_start3A_28] : memref<10000x128xf32, #tpu.memory_space<hbm>> -> memref<10000x128xf32, #tpu.memory_space<hbm>>
    tpu.enqueue_indirect_dma source(%dma_start3A_29 : memref<10000x128xf32, #tpu.memory_space<hbm>>) target(%dma_start3A_20 : memref<80x128xf32, #tpu.memory_space<vmem>>) offsets(%dma_start3A_22 : memref<80xi32, #tpu.memory_space<vmem>>) semaphore(%arg8 : memref<!tpu.dma_semaphore, #tpu.memory_space<semaphore_mem>>)
    %dma_start3A_30 = arith.constant 1 : i32
    %dma_start3A_31 = arith.constant 0 : i32
    %dma_start3A_32 = arith.constant 0 : i32
    %dma_start3A_33 = tpu.memref_slice %arg6[%dma_start3A_30, %dma_start3A_31, %dma_start3A_32] : memref<4x80x128xf32, #tpu.memory_space<vmem>> -> memref<1x80x128xf32, #tpu.memory_space<vmem>>
    %dma_start3A_34 = tpu.memref_squeeze %dma_start3A_33 : memref<1x80x128xf32, #tpu.memory_space<vmem>> -> memref<80x128xf32, #tpu.memory_space<vmem>>
    %dma_start3A_35 = arith.constant 80 : i32
    %dma_start3A_36 = tpu.memref_slice %arg5[%dma_start3A_35] : memref<10000xi32, #tpu.memory_space<vmem>> -> memref<80xi32, #tpu.memory_space<vmem>>
    %dma_start3A_37 = arith.constant 0 : i32
    %dma_start3A_38 = arith.constant 0 : i32
    %dma_start3A_39 = tpu.memref_slice %arg2[%arg0, %dma_start3A_37, %dma_start3A_38] : memref<2x10000x128xf32, #tpu.memory_space<hbm>> -> memref<1x10000x128xf32, #tpu.memory_space<hbm>>
    %dma_start3A_40 = tpu.memref_squeeze %dma_start3A_39 : memref<1x10000x128xf32, #tpu.memory_space<hbm>> -> memref<10000x128xf32, #tpu.memory_space<hbm>>
    %dma_start3A_41 = arith.constant 0 : i32
    %dma_start3A_42 = arith.constant 0 : i32
    %dma_start3A_43 = tpu.memref_slice %dma_start3A_40[%dma_start3A_41, %dma_start3A_42] : memref<10000x128xf32, #tpu.memory_space<hbm>> -> memref<10000x128xf32, #tpu.memory_space<hbm>>
    tpu.enqueue_indirect_dma source(%dma_start3A_43 : memref<10000x128xf32, #tpu.memory_space<hbm>>) target(%dma_start3A_34 : memref<80x128xf32, #tpu.memory_space<vmem>>) offsets(%dma_start3A_36 : memref<80xi32, #tpu.memory_space<vmem>>) semaphore(%arg9 : memref<!tpu.dma_semaphore, #tpu.memory_space<semaphore_mem>>)
    %dma_start3A_44 = arith.constant 2 : i32
    %dma_start3A_45 = arith.constant 0 : i32
    %dma_start3A_46 = arith.constant 0 : i32
    %dma_start3A_47 = tpu.memref_slice %arg6[%dma_start3A_44, %dma_start3A_45, %dma_start3A_46] : memref<4x80x128xf32, #tpu.memory_space<vmem>> -> memref<1x80x128xf32, #tpu.memory_space<vmem>>
    %dma_start3A_48 = tpu.memref_squeeze %dma_start3A_47 : memref<1x80x128xf32, #tpu.memory_space<vmem>> -> memref<80x128xf32, #tpu.memory_space<vmem>>
    %dma_start3A_49 = arith.constant 160 : i32
    %dma_start3A_50 = tpu.memref_slice %arg5[%dma_start3A_49] : memref<10000xi32, #tpu.memory_space<vmem>> -> memref<80xi32, #tpu.memory_space<vmem>>
    %dma_start3A_51 = arith.constant 0 : i32
    %dma_start3A_52 = arith.constant 0 : i32
    %dma_start3A_53 = tpu.memref_slice %arg2[%arg0, %dma_start3A_51, %dma_start3A_52] : memref<2x10000x128xf32, #tpu.memory_space<hbm>> -> memref<1x10000x128xf32, #tpu.memory_space<hbm>>
    %dma_start3A_54 = tpu.memref_squeeze %dma_start3A_53 : memref<1x10000x128xf32, #tpu.memory_space<hbm>> -> memref<10000x128xf32, #tpu.memory_space<hbm>>
    %dma_start3A_55 = arith.constant 0 : i32
    %dma_start3A_56 = arith.constant 0 : i32
    %dma_start3A_57 = tpu.memref_slice %dma_start3A_54[%dma_start3A_55, %dma_start3A_56] : memref<10000x128xf32, #tpu.memory_space<hbm>> -> memref<10000x128xf32, #tpu.memory_space<hbm>>
    tpu.enqueue_indirect_dma source(%dma_start3A_57 : memref<10000x128xf32, #tpu.memory_space<hbm>>) target(%dma_start3A_48 : memref<80x128xf32, #tpu.memory_space<vmem>>) offsets(%dma_start3A_50 : memref<80xi32, #tpu.memory_space<vmem>>) semaphore(%arg10 : memref<!tpu.dma_semaphore, #tpu.memory_space<semaphore_mem>>)
    %dma_wait3A = arith.constant 0 : i32
    %dma_wait3A_58 = arith.constant 0 : i32
    %dma_wait3A_59 = arith.constant 0 : i32
    %dma_wait3A_60 = tpu.memref_slice %arg6[%dma_wait3A, %dma_wait3A_58, %dma_wait3A_59] : memref<4x80x128xf32, #tpu.memory_space<vmem>> -> memref<1x80x128xf32, #tpu.memory_space<vmem>>
    %dma_wait3A_61 = tpu.memref_squeeze %dma_wait3A_60 : memref<1x80x128xf32, #tpu.memory_space<vmem>> -> memref<80x128xf32, #tpu.memory_space<vmem>>
    %dma_wait3A_62 = arith.constant 0 : i32
    %dma_wait3A_63 = tpu.memref_slice %arg5[%dma_wait3A_62] : memref<10000xi32, #tpu.memory_space<vmem>> -> memref<80xi32, #tpu.memory_space<vmem>>
    %dma_wait3A_64 = arith.constant 0 : i32
    %dma_wait3A_65 = arith.constant 0 : i32
    %dma_wait3A_66 = tpu.memref_slice %arg7[%dma_wait3A_64, %dma_wait3A_65] : memref<10000x128xf32, #tpu.memory_space<vmem_shared>> -> memref<10000x128xf32, #tpu.memory_space<vmem_shared>>
    tpu.wait_indirect_dma semaphore(%arg8 : memref<!tpu.dma_semaphore, #tpu.memory_space<semaphore_mem>>) src(%dma_wait3A_66 : memref<10000x128xf32, #tpu.memory_space<vmem_shared>>) dst(%dma_wait3A_61 : memref<80x128xf32, #tpu.memory_space<vmem>>)
    %add3A_67 = arith.constant 0 : i32
    %add3A_68 = arith.addi %add3A, %add3A_67 : i32
    %dma_start3A_69 = arith.constant 0 : i32
    %dma_start3A_70 = arith.constant 0 : i32
    %dma_start3A_71 = arith.constant 0 : i32
    %dma_start3A_72 = tpu.memref_slice %arg6[%dma_start3A_69, %dma_start3A_70, %dma_start3A_71] : memref<4x80x128xf32, #tpu.memory_space<vmem>> -> memref<1x80x128xf32, #tpu.memory_space<vmem>>
    %dma_start3A_73 = tpu.memref_squeeze %dma_start3A_72 : memref<1x80x128xf32, #tpu.memory_space<vmem>> -> memref<80x128xf32, #tpu.memory_space<vmem>>
    %dma_start3A_74 = arith.constant 0 : i32
    %dma_start3A_75 = tpu.memref_slice %arg4[%add3A_68, %dma_start3A_74] : memref<320000x128xf32, #tpu.memory_space<hbm>> -> memref<80x128xf32, #tpu.memory_space<hbm>>
    %dma_start3A_76 = arith.constant 0 : i32
    %dma_start3A_77 = tpu.memref_slice %arg4[%add3A_68, %dma_start3A_76] : memref<320000x128xf32, #tpu.memory_space<hbm>> -> memref<80x128xf32, #tpu.memory_space<hbm>>
    %dma_start3A_78 = arith.constant 0 : i32
    %dma_start3A_79 = arith.constant 0 : i32
    %dma_start3A_80 = tpu.memref_slice %arg6[%dma_start3A_69, %dma_start3A_78, %dma_start3A_79] : memref<4x80x128xf32, #tpu.memory_space<vmem>> -> memref<1x80x128xf32, #tpu.memory_space<vmem>>
    %dma_start3A_81 = tpu.memref_squeeze %dma_start3A_80 : memref<1x80x128xf32, #tpu.memory_space<vmem>> -> memref<80x128xf32, #tpu.memory_space<vmem>>
    tpu.enqueue_dma source(%dma_start3A_81 : memref<80x128xf32, #tpu.memory_space<vmem>>) target(%dma_start3A_77 : memref<80x128xf32, #tpu.memory_space<hbm>>) target_semaphore(%arg12 : memref<!tpu.dma_semaphore, #tpu.memory_space<semaphore_mem>>)
    %dma_start3A_82 = arith.constant 3 : i32
    %dma_start3A_83 = arith.constant 0 : i32
    %dma_start3A_84 = arith.constant 0 : i32
    %dma_start3A_85 = tpu.memref_slice %arg6[%dma_start3A_82, %dma_start3A_83, %dma_start3A_84] : memref<4x80x128xf32, #tpu.memory_space<vmem>> -> memref<1x80x128xf32, #tpu.memory_space<vmem>>
    %dma_start3A_86 = tpu.memref_squeeze %dma_start3A_85 : memref<1x80x128xf32, #tpu.memory_space<vmem>> -> memref<80x128xf32, #tpu.memory_space<vmem>>
    %dma_start3A_87 = arith.constant 240 : i32
    %dma_start3A_88 = tpu.memref_slice %arg5[%dma_start3A_87] : memref<10000xi32, #tpu.memory_space<vmem>> -> memref<80xi32, #tpu.memory_space<vmem>>
    %dma_start3A_89 = arith.constant 0 : i32
    %dma_start3A_90 = arith.constant 0 : i32
    %dma_start3A_91 = tpu.memref_slice %arg2[%arg0, %dma_start3A_89, %dma_start3A_90] : memref<2x10000x128xf32, #tpu.memory_space<hbm>> -> memref<1x10000x128xf32, #tpu.memory_space<hbm>>
    %dma_start3A_92 = tpu.memref_squeeze %dma_start3A_91 : memref<1x10000x128xf32, #tpu.memory_space<hbm>> -> memref<10000x128xf32, #tpu.memory_space<hbm>>
    %dma_start3A_93 = arith.constant 0 : i32
    %dma_start3A_94 = arith.constant 0 : i32
    %dma_start3A_95 = tpu.memref_slice %dma_start3A_92[%dma_start3A_93, %dma_start3A_94] : memref<10000x128xf32, #tpu.memory_space<hbm>> -> memref<10000x128xf32, #tpu.memory_space<hbm>>
    tpu.enqueue_indirect_dma source(%dma_start3A_95 : memref<10000x128xf32, #tpu.memory_space<hbm>>) target(%dma_start3A_86 : memref<80x128xf32, #tpu.memory_space<vmem>>) offsets(%dma_start3A_88 : memref<80xi32, #tpu.memory_space<vmem>>) semaphore(%arg11 : memref<!tpu.dma_semaphore, #tpu.memory_space<semaphore_mem>>)
    %dma_wait3A_96 = arith.constant 1 : i32
    %dma_wait3A_97 = arith.constant 0 : i32
    %dma_wait3A_98 = arith.constant 0 : i32
    %dma_wait3A_99 = tpu.memref_slice %arg6[%dma_wait3A_96, %dma_wait3A_97, %dma_wait3A_98] : memref<4x80x128xf32, #tpu.memory_space<vmem>> -> memref<1x80x128xf32, #tpu.memory_space<vmem>>
    %dma_wait3A_100 = tpu.memref_squeeze %dma_wait3A_99 : memref<1x80x128xf32, #tpu.memory_space<vmem>> -> memref<80x128xf32, #tpu.memory_space<vmem>>
    %dma_wait3A_101 = arith.constant 0 : i32
    %dma_wait3A_102 = tpu.memref_slice %arg5[%dma_wait3A_101] : memref<10000xi32, #tpu.memory_space<vmem>> -> memref<80xi32, #tpu.memory_space<vmem>>
    %dma_wait3A_103 = arith.constant 0 : i32
    %dma_wait3A_104 = arith.constant 0 : i32
    %dma_wait3A_105 = tpu.memref_slice %arg7[%dma_wait3A_103, %dma_wait3A_104] : memref<10000x128xf32, #tpu.memory_space<vmem_shared>> -> memref<10000x128xf32, #tpu.memory_space<vmem_shared>>
    tpu.wait_indirect_dma semaphore(%arg9 : memref<!tpu.dma_semaphore, #tpu.memory_space<semaphore_mem>>) src(%dma_wait3A_105 : memref<10000x128xf32, #tpu.memory_space<vmem_shared>>) dst(%dma_wait3A_100 : memref<80x128xf32, #tpu.memory_space<vmem>>)
    %add3A_106 = arith.constant 80 : i32
    %add3A_107 = arith.addi %add3A, %add3A_106 : i32
    %dma_start3A_108 = arith.constant 1 : i32
    %dma_start3A_109 = arith.constant 0 : i32
    %dma_start3A_110 = arith.constant 0 : i32
    %dma_start3A_111 = tpu.memref_slice %arg6[%dma_start3A_108, %dma_start3A_109, %dma_start3A_110] : memref<4x80x128xf32, #tpu.memory_space<vmem>> -> memref<1x80x128xf32, #tpu.memory_space<vmem>>
    %dma_start3A_112 = tpu.memref_squeeze %dma_start3A_111 : memref<1x80x128xf32, #tpu.memory_space<vmem>> -> memref<80x128xf32, #tpu.memory_space<vmem>>
    %dma_start3A_113 = arith.constant 0 : i32
    %dma_start3A_114 = tpu.memref_slice %arg4[%add3A_107, %dma_start3A_113] : memref<320000x128xf32, #tpu.memory_space<hbm>> -> memref<80x128xf32, #tpu.memory_space<hbm>>
    %dma_start3A_115 = arith.constant 0 : i32
    %dma_start3A_116 = tpu.memref_slice %arg4[%add3A_107, %dma_start3A_115] : memref<320000x128xf32, #tpu.memory_space<hbm>> -> memref<80x128xf32, #tpu.memory_space<hbm>>
    %dma_start3A_117 = arith.constant 0 : i32
    %dma_start3A_118 = arith.constant 0 : i32
    %dma_start3A_119 = tpu.memref_slice %arg6[%dma_start3A_108, %dma_start3A_117, %dma_start3A_118] : memref<4x80x128xf32, #tpu.memory_space<vmem>> -> memref<1x80x128xf32, #tpu.memory_space<vmem>>
    %dma_start3A_120 = tpu.memref_squeeze %dma_start3A_119 : memref<1x80x128xf32, #tpu.memory_space<vmem>> -> memref<80x128xf32, #tpu.memory_space<vmem>>
    tpu.enqueue_dma source(%dma_start3A_120 : memref<80x128xf32, #tpu.memory_space<vmem>>) target(%dma_start3A_116 : memref<80x128xf32, #tpu.memory_space<hbm>>) target_semaphore(%arg13 : memref<!tpu.dma_semaphore, #tpu.memory_space<semaphore_mem>>)
    %dma_wait3A_121 = arith.constant 0 : i32
    %dma_wait3A_122 = tpu.memref_slice %arg7[%mul3A_6, %dma_wait3A_121] : memref<10000x128xf32, #tpu.memory_space<vmem_shared>> -> memref<624x128xf32, #tpu.memory_space<vmem_shared>>
    %dma_wait3A_123 = arith.constant 0 : i32
    %dma_wait3A_124 = arith.constant 0 : i32
    %dma_wait3A_125 = tpu.memref_slice %arg2[%arg0, %dma_wait3A_123, %dma_wait3A_124] : memref<2x10000x128xf32, #tpu.memory_space<hbm>> -> memref<1x10000x128xf32, #tpu.memory_space<hbm>>
    %dma_wait3A_126 = tpu.memref_squeeze %dma_wait3A_125 : memref<1x10000x128xf32, #tpu.memory_space<hbm>> -> memref<10000x128xf32, #tpu.memory_space<hbm>>
    %dma_wait3A_127 = arith.constant 0 : i32
    %dma_wait3A_128 = tpu.memref_slice %dma_wait3A_126[%mul3A_4, %dma_wait3A_127] : memref<10000x128xf32, #tpu.memory_space<hbm>> -> memref<624x128xf32, #tpu.memory_space<hbm>>
    tpu.wait_dma2 semaphore(%arg16 : memref<!tpu.dma_semaphore, #tpu.memory_space<semaphore_mem>>) src(%dma_wait3A_128 : memref<624x128xf32, #tpu.memory_space<hbm>>) dst(%dma_wait3A_122 : memref<624x128xf32, #tpu.memory_space<vmem_shared>>)
    %eq3A_129 = arith.constant 0 : i32
    %eq3A_130 = arith.cmpi eq, %arg1, %eq3A_129 : i32
    %convert_element_type3A_131 = arith.extui %eq3A_130 : i1 to i32
    %cond3A_132 = arith.constant 0 : i32
    %cond3A_133 = arith.cmpi ne, %convert_element_type3A_131, %cond3A_132 : i32
    scf.if %cond3A_133 {
      %dma_wait3A_289 = arith.constant 9984 : i32
      %dma_wait3A_290 = arith.constant 0 : i32
      %dma_wait3A_291 = tpu.memref_slice %arg7[%dma_wait3A_289, %dma_wait3A_290] : memref<10000x128xf32, #tpu.memory_space<vmem_shared>> -> memref<16x128xf32, #tpu.memory_space<vmem_shared>>
      %dma_wait3A_292 = arith.constant 0 : i32
      %dma_wait3A_293 = arith.constant 0 : i32
      %dma_wait3A_294 = tpu.memref_slice %arg2[%arg0, %dma_wait3A_292, %dma_wait3A_293] : memref<2x10000x128xf32, #tpu.memory_space<hbm>> -> memref<1x10000x128xf32, #tpu.memory_space<hbm>>
      %dma_wait3A_295 = tpu.memref_squeeze %dma_wait3A_294 : memref<1x10000x128xf32, #tpu.memory_space<hbm>> -> memref<10000x128xf32, #tpu.memory_space<hbm>>
      %dma_wait3A_296 = arith.constant 9984 : i32
      %dma_wait3A_297 = arith.constant 0 : i32
      %dma_wait3A_298 = tpu.memref_slice %dma_wait3A_295[%dma_wait3A_296, %dma_wait3A_297] : memref<10000x128xf32, #tpu.memory_space<hbm>> -> memref<16x128xf32, #tpu.memory_space<hbm>>
      tpu.wait_dma2 semaphore(%arg16 : memref<!tpu.dma_semaphore, #tpu.memory_space<semaphore_mem>>) src(%dma_wait3A_298 : memref<16x128xf32, #tpu.memory_space<hbm>>) dst(%dma_wait3A_291 : memref<16x128xf32, #tpu.memory_space<vmem_shared>>)
    } else {
    }
    %barrier3A = arith.constant 0 : index
    tpu.barrier barrier_id(%barrier3A)
    %scan3A = arith.constant 0 : i32
    %scan3A_134 = arith.constant 0 : i32
    %scan3A_135 = arith.constant 30 : i32
    %scan3A_136 = arith.addi %scan3A_134, %scan3A_135 : i32
    %scan3A_137 = arith.constant 1 : i32
    scf.for %scan3A_289 = %scan3A_134 to %scan3A_136 step %scan3A_137  : i32 {
      %mul3A_290 = arith.constant 4 : i32
      %mul3A_291 = arith.muli %mul3A_290, %scan3A_289 : i32
      %add3A_292 = arith.constant 2 : i32
      %add3A_293 = arith.addi %add3A_292, %mul3A_291 : i32
      %add3A_294 = arith.constant 0 : i32
      %add3A_295 = arith.addi %add3A_293, %add3A_294 : i32
      %dma_wait3A_296 = arith.constant 0 : i32
      %dma_wait3A_297 = arith.constant 0 : i32
      %dma_wait3A_298 = arith.constant 0 : i32
      %dma_wait3A_299 = tpu.memref_slice %arg6[%dma_wait3A_296, %dma_wait3A_297, %dma_wait3A_298] : memref<4x80x128xf32, #tpu.memory_space<vmem>> -> memref<1x80x128xf32, #tpu.memory_space<vmem>>
      %dma_wait3A_300 = tpu.memref_squeeze %dma_wait3A_299 : memref<1x80x128xf32, #tpu.memory_space<vmem>> -> memref<80x128xf32, #tpu.memory_space<vmem>>
      %dma_wait3A_301 = arith.constant 0 : i32
      %dma_wait3A_302 = tpu.memref_slice %arg4[%add3A, %dma_wait3A_301] : memref<320000x128xf32, #tpu.memory_space<hbm>> -> memref<80x128xf32, #tpu.memory_space<hbm>>
      %dma_wait3A_303 = arith.constant 0 : i32
      %dma_wait3A_304 = tpu.memref_slice %arg4[%add3A, %dma_wait3A_303] : memref<320000x128xf32, #tpu.memory_space<hbm>> -> memref<80x128xf32, #tpu.memory_space<hbm>>
      %dma_wait3A_305 = arith.constant 0 : i32
      %dma_wait3A_306 = arith.constant 0 : i32
      %dma_wait3A_307 = tpu.memref_slice %arg6[%dma_wait3A_296, %dma_wait3A_305, %dma_wait3A_306] : memref<4x80x128xf32, #tpu.memory_space<vmem>> -> memref<1x80x128xf32, #tpu.memory_space<vmem>>
      %dma_wait3A_308 = tpu.memref_squeeze %dma_wait3A_307 : memref<1x80x128xf32, #tpu.memory_space<vmem>> -> memref<80x128xf32, #tpu.memory_space<vmem>>
      tpu.wait_dma2 semaphore(%arg12 : memref<!tpu.dma_semaphore, #tpu.memory_space<semaphore_mem>>) src(%dma_wait3A_308 : memref<80x128xf32, #tpu.memory_space<vmem>>) dst(%dma_wait3A_304 : memref<80x128xf32, #tpu.memory_space<hbm>>)
      %add3A_309 = arith.constant 2 : i32
      %add3A_310 = arith.addi %add3A_295, %add3A_309 : i32
      %mul3A_311 = arith.constant 80 : i32
      %mul3A_312 = arith.muli %add3A_310, %mul3A_311 : i32
      %dma_start3A_313 = arith.constant 0 : i32
      %dma_start3A_314 = arith.constant 0 : i32
      %dma_start3A_315 = arith.constant 0 : i32
      %dma_start3A_316 = tpu.memref_slice %arg6[%dma_start3A_313, %dma_start3A_314, %dma_start3A_315] : memref<4x80x128xf32, #tpu.memory_space<vmem>> -> memref<1x80x128xf32, #tpu.memory_space<vmem>>
      %dma_start3A_317 = tpu.memref_squeeze %dma_start3A_316 : memref<1x80x128xf32, #tpu.memory_space<vmem>> -> memref<80x128xf32, #tpu.memory_space<vmem>>
      %dma_start3A_318 = tpu.memref_slice %arg5[%mul3A_312] : memref<10000xi32, #tpu.memory_space<vmem>> -> memref<80xi32, #tpu.memory_space<vmem>>
      %dma_start3A_319 = arith.constant 0 : i32
      %dma_start3A_320 = arith.constant 0 : i32
      %dma_start3A_321 = tpu.memref_slice %arg7[%dma_start3A_319, %dma_start3A_320] : memref<10000x128xf32, #tpu.memory_space<vmem_shared>> -> memref<10000x128xf32, #tpu.memory_space<vmem_shared>>
      tpu.enqueue_indirect_dma source(%dma_start3A_321 : memref<10000x128xf32, #tpu.memory_space<vmem_shared>>) target(%dma_start3A_317 : memref<80x128xf32, #tpu.memory_space<vmem>>) offsets(%dma_start3A_318 : memref<80xi32, #tpu.memory_space<vmem>>) semaphore(%arg8 : memref<!tpu.dma_semaphore, #tpu.memory_space<semaphore_mem>>)
      %dma_wait3A_322 = arith.constant 2 : i32
      %dma_wait3A_323 = arith.constant 0 : i32
      %dma_wait3A_324 = arith.constant 0 : i32
      %dma_wait3A_325 = tpu.memref_slice %arg6[%dma_wait3A_322, %dma_wait3A_323, %dma_wait3A_324] : memref<4x80x128xf32, #tpu.memory_space<vmem>> -> memref<1x80x128xf32, #tpu.memory_space<vmem>>
      %dma_wait3A_326 = tpu.memref_squeeze %dma_wait3A_325 : memref<1x80x128xf32, #tpu.memory_space<vmem>> -> memref<80x128xf32, #tpu.memory_space<vmem>>
      %dma_wait3A_327 = arith.constant 0 : i32
      %dma_wait3A_328 = tpu.memref_slice %arg5[%dma_wait3A_327] : memref<10000xi32, #tpu.memory_space<vmem>> -> memref<80xi32, #tpu.memory_space<vmem>>
      %dma_wait3A_329 = arith.constant 0 : i32
      %dma_wait3A_330 = arith.constant 0 : i32
      %dma_wait3A_331 = tpu.memref_slice %arg7[%dma_wait3A_329, %dma_wait3A_330] : memref<10000x128xf32, #tpu.memory_space<vmem_shared>> -> memref<10000x128xf32, #tpu.memory_space<vmem_shared>>
      tpu.wait_indirect_dma semaphore(%arg10 : memref<!tpu.dma_semaphore, #tpu.memory_space<semaphore_mem>>) src(%dma_wait3A_331 : memref<10000x128xf32, #tpu.memory_space<vmem_shared>>) dst(%dma_wait3A_326 : memref<80x128xf32, #tpu.memory_space<vmem>>)
      %mul3A_332 = arith.constant 80 : i32
      %mul3A_333 = arith.muli %add3A_295, %mul3A_332 : i32
      %add3A_334 = arith.addi %add3A, %mul3A_333 : i32
      %dma_start3A_335 = arith.constant 2 : i32
      %dma_start3A_336 = arith.constant 0 : i32
      %dma_start3A_337 = arith.constant 0 : i32
      %dma_start3A_338 = tpu.memref_slice %arg6[%dma_start3A_335, %dma_start3A_336, %dma_start3A_337] : memref<4x80x128xf32, #tpu.memory_space<vmem>> -> memref<1x80x128xf32, #tpu.memory_space<vmem>>
      %dma_start3A_339 = tpu.memref_squeeze %dma_start3A_338 : memref<1x80x128xf32, #tpu.memory_space<vmem>> -> memref<80x128xf32, #tpu.memory_space<vmem>>
      %dma_start3A_340 = arith.constant 0 : i32
      %dma_start3A_341 = tpu.memref_slice %arg4[%add3A_334, %dma_start3A_340] : memref<320000x128xf32, #tpu.memory_space<hbm>> -> memref<80x128xf32, #tpu.memory_space<hbm>>
      %dma_start3A_342 = arith.constant 0 : i32
      %dma_start3A_343 = tpu.memref_slice %arg4[%add3A_334, %dma_start3A_342] : memref<320000x128xf32, #tpu.memory_space<hbm>> -> memref<80x128xf32, #tpu.memory_space<hbm>>
      %dma_start3A_344 = arith.constant 0 : i32
      %dma_start3A_345 = arith.constant 0 : i32
      %dma_start3A_346 = tpu.memref_slice %arg6[%dma_start3A_335, %dma_start3A_344, %dma_start3A_345] : memref<4x80x128xf32, #tpu.memory_space<vmem>> -> memref<1x80x128xf32, #tpu.memory_space<vmem>>
      %dma_start3A_347 = tpu.memref_squeeze %dma_start3A_346 : memref<1x80x128xf32, #tpu.memory_space<vmem>> -> memref<80x128xf32, #tpu.memory_space<vmem>>
      tpu.enqueue_dma source(%dma_start3A_347 : memref<80x128xf32, #tpu.memory_space<vmem>>) target(%dma_start3A_343 : memref<80x128xf32, #tpu.memory_space<hbm>>) target_semaphore(%arg14 : memref<!tpu.dma_semaphore, #tpu.memory_space<semaphore_mem>>)
      %add3A_348 = arith.constant 1 : i32
      %add3A_349 = arith.addi %add3A_293, %add3A_348 : i32
      %dma_wait3A_350 = arith.constant 1 : i32
      %dma_wait3A_351 = arith.constant 0 : i32
      %dma_wait3A_352 = arith.constant 0 : i32
      %dma_wait3A_353 = tpu.memref_slice %arg6[%dma_wait3A_350, %dma_wait3A_351, %dma_wait3A_352] : memref<4x80x128xf32, #tpu.memory_space<vmem>> -> memref<1x80x128xf32, #tpu.memory_space<vmem>>
      %dma_wait3A_354 = tpu.memref_squeeze %dma_wait3A_353 : memref<1x80x128xf32, #tpu.memory_space<vmem>> -> memref<80x128xf32, #tpu.memory_space<vmem>>
      %dma_wait3A_355 = arith.constant 0 : i32
      %dma_wait3A_356 = tpu.memref_slice %arg4[%add3A, %dma_wait3A_355] : memref<320000x128xf32, #tpu.memory_space<hbm>> -> memref<80x128xf32, #tpu.memory_space<hbm>>
      %dma_wait3A_357 = arith.constant 0 : i32
      %dma_wait3A_358 = tpu.memref_slice %arg4[%add3A, %dma_wait3A_357] : memref<320000x128xf32, #tpu.memory_space<hbm>> -> memref<80x128xf32, #tpu.memory_space<hbm>>
      %dma_wait3A_359 = arith.constant 0 : i32
      %dma_wait3A_360 = arith.constant 0 : i32
      %dma_wait3A_361 = tpu.memref_slice %arg6[%dma_wait3A_350, %dma_wait3A_359, %dma_wait3A_360] : memref<4x80x128xf32, #tpu.memory_space<vmem>> -> memref<1x80x128xf32, #tpu.memory_space<vmem>>
      %dma_wait3A_362 = tpu.memref_squeeze %dma_wait3A_361 : memref<1x80x128xf32, #tpu.memory_space<vmem>> -> memref<80x128xf32, #tpu.memory_space<vmem>>
      tpu.wait_dma2 semaphore(%arg13 : memref<!tpu.dma_semaphore, #tpu.memory_space<semaphore_mem>>) src(%dma_wait3A_362 : memref<80x128xf32, #tpu.memory_space<vmem>>) dst(%dma_wait3A_358 : memref<80x128xf32, #tpu.memory_space<hbm>>)
      %add3A_363 = arith.constant 2 : i32
      %add3A_364 = arith.addi %add3A_349, %add3A_363 : i32
      %mul3A_365 = arith.constant 80 : i32
      %mul3A_366 = arith.muli %add3A_364, %mul3A_365 : i32
      %dma_start3A_367 = arith.constant 1 : i32
      %dma_start3A_368 = arith.constant 0 : i32
      %dma_start3A_369 = arith.constant 0 : i32
      %dma_start3A_370 = tpu.memref_slice %arg6[%dma_start3A_367, %dma_start3A_368, %dma_start3A_369] : memref<4x80x128xf32, #tpu.memory_space<vmem>> -> memref<1x80x128xf32, #tpu.memory_space<vmem>>
      %dma_start3A_371 = tpu.memref_squeeze %dma_start3A_370 : memref<1x80x128xf32, #tpu.memory_space<vmem>> -> memref<80x128xf32, #tpu.memory_space<vmem>>
      %dma_start3A_372 = tpu.memref_slice %arg5[%mul3A_366] : memref<10000xi32, #tpu.memory_space<vmem>> -> memref<80xi32, #tpu.memory_space<vmem>>
      %dma_start3A_373 = arith.constant 0 : i32
      %dma_start3A_374 = arith.constant 0 : i32
      %dma_start3A_375 = tpu.memref_slice %arg7[%dma_start3A_373, %dma_start3A_374] : memref<10000x128xf32, #tpu.memory_space<vmem_shared>> -> memref<10000x128xf32, #tpu.memory_space<vmem_shared>>
      tpu.enqueue_indirect_dma source(%dma_start3A_375 : memref<10000x128xf32, #tpu.memory_space<vmem_shared>>) target(%dma_start3A_371 : memref<80x128xf32, #tpu.memory_space<vmem>>) offsets(%dma_start3A_372 : memref<80xi32, #tpu.memory_space<vmem>>) semaphore(%arg9 : memref<!tpu.dma_semaphore, #tpu.memory_space<semaphore_mem>>)
      %dma_wait3A_376 = arith.constant 3 : i32
      %dma_wait3A_377 = arith.constant 0 : i32
      %dma_wait3A_378 = arith.constant 0 : i32
      %dma_wait3A_379 = tpu.memref_slice %arg6[%dma_wait3A_376, %dma_wait3A_377, %dma_wait3A_378] : memref<4x80x128xf32, #tpu.memory_space<vmem>> -> memref<1x80x128xf32, #tpu.memory_space<vmem>>
      %dma_wait3A_380 = tpu.memref_squeeze %dma_wait3A_379 : memref<1x80x128xf32, #tpu.memory_space<vmem>> -> memref<80x128xf32, #tpu.memory_space<vmem>>
      %dma_wait3A_381 = arith.constant 0 : i32
      %dma_wait3A_382 = tpu.memref_slice %arg5[%dma_wait3A_381] : memref<10000xi32, #tpu.memory_space<vmem>> -> memref<80xi32, #tpu.memory_space<vmem>>
      %dma_wait3A_383 = arith.constant 0 : i32
      %dma_wait3A_384 = arith.constant 0 : i32
      %dma_wait3A_385 = tpu.memref_slice %arg7[%dma_wait3A_383, %dma_wait3A_384] : memref<10000x128xf32, #tpu.memory_space<vmem_shared>> -> memref<10000x128xf32, #tpu.memory_space<vmem_shared>>
      tpu.wait_indirect_dma semaphore(%arg11 : memref<!tpu.dma_semaphore, #tpu.memory_space<semaphore_mem>>) src(%dma_wait3A_385 : memref<10000x128xf32, #tpu.memory_space<vmem_shared>>) dst(%dma_wait3A_380 : memref<80x128xf32, #tpu.memory_space<vmem>>)
      %mul3A_386 = arith.constant 80 : i32
      %mul3A_387 = arith.muli %add3A_349, %mul3A_386 : i32
      %add3A_388 = arith.addi %add3A, %mul3A_387 : i32
      %dma_start3A_389 = arith.constant 3 : i32
      %dma_start3A_390 = arith.constant 0 : i32
      %dma_start3A_391 = arith.constant 0 : i32
      %dma_start3A_392 = tpu.memref_slice %arg6[%dma_start3A_389, %dma_start3A_390, %dma_start3A_391] : memref<4x80x128xf32, #tpu.memory_space<vmem>> -> memref<1x80x128xf32, #tpu.memory_space<vmem>>
      %dma_start3A_393 = tpu.memref_squeeze %dma_start3A_392 : memref<1x80x128xf32, #tpu.memory_space<vmem>> -> memref<80x128xf32, #tpu.memory_space<vmem>>
      %dma_start3A_394 = arith.constant 0 : i32
      %dma_start3A_395 = tpu.memref_slice %arg4[%add3A_388, %dma_start3A_394] : memref<320000x128xf32, #tpu.memory_space<hbm>> -> memref<80x128xf32, #tpu.memory_space<hbm>>
      %dma_start3A_396 = arith.constant 0 : i32
      %dma_start3A_397 = tpu.memref_slice %arg4[%add3A_388, %dma_start3A_396] : memref<320000x128xf32, #tpu.memory_space<hbm>> -> memref<80x128xf32, #tpu.memory_space<hbm>>
      %dma_start3A_398 = arith.constant 0 : i32
      %dma_start3A_399 = arith.constant 0 : i32
      %dma_start3A_400 = tpu.memref_slice %arg6[%dma_start3A_389, %dma_start3A_398, %dma_start3A_399] : memref<4x80x128xf32, #tpu.memory_space<vmem>> -> memref<1x80x128xf32, #tpu.memory_space<vmem>>
      %dma_start3A_401 = tpu.memref_squeeze %dma_start3A_400 : memref<1x80x128xf32, #tpu.memory_space<vmem>> -> memref<80x128xf32, #tpu.memory_space<vmem>>
      tpu.enqueue_dma source(%dma_start3A_401 : memref<80x128xf32, #tpu.memory_space<vmem>>) target(%dma_start3A_397 : memref<80x128xf32, #tpu.memory_space<hbm>>) target_semaphore(%arg15 : memref<!tpu.dma_semaphore, #tpu.memory_space<semaphore_mem>>)
      %add3A_402 = arith.constant 2 : i32
      %add3A_403 = arith.addi %add3A_293, %add3A_402 : i32
      %dma_wait3A_404 = arith.constant 2 : i32
      %dma_wait3A_405 = arith.constant 0 : i32
      %dma_wait3A_406 = arith.constant 0 : i32
      %dma_wait3A_407 = tpu.memref_slice %arg6[%dma_wait3A_404, %dma_wait3A_405, %dma_wait3A_406] : memref<4x80x128xf32, #tpu.memory_space<vmem>> -> memref<1x80x128xf32, #tpu.memory_space<vmem>>
      %dma_wait3A_408 = tpu.memref_squeeze %dma_wait3A_407 : memref<1x80x128xf32, #tpu.memory_space<vmem>> -> memref<80x128xf32, #tpu.memory_space<vmem>>
      %dma_wait3A_409 = arith.constant 0 : i32
      %dma_wait3A_410 = tpu.memref_slice %arg4[%add3A, %dma_wait3A_409] : memref<320000x128xf32, #tpu.memory_space<hbm>> -> memref<80x128xf32, #tpu.memory_space<hbm>>
      %dma_wait3A_411 = arith.constant 0 : i32
      %dma_wait3A_412 = tpu.memref_slice %arg4[%add3A, %dma_wait3A_411] : memref<320000x128xf32, #tpu.memory_space<hbm>> -> memref<80x128xf32, #tpu.memory_space<hbm>>
      %dma_wait3A_413 = arith.constant 0 : i32
      %dma_wait3A_414 = arith.constant 0 : i32
      %dma_wait3A_415 = tpu.memref_slice %arg6[%dma_wait3A_404, %dma_wait3A_413, %dma_wait3A_414] : memref<4x80x128xf32, #tpu.memory_space<vmem>> -> memref<1x80x128xf32, #tpu.memory_space<vmem>>
      %dma_wait3A_416 = tpu.memref_squeeze %dma_wait3A_415 : memref<1x80x128xf32, #tpu.memory_space<vmem>> -> memref<80x128xf32, #tpu.memory_space<vmem>>
      tpu.wait_dma2 semaphore(%arg14 : memref<!tpu.dma_semaphore, #tpu.memory_space<semaphore_mem>>) src(%dma_wait3A_416 : memref<80x128xf32, #tpu.memory_space<vmem>>) dst(%dma_wait3A_412 : memref<80x128xf32, #tpu.memory_space<hbm>>)
      %add3A_417 = arith.constant 2 : i32
      %add3A_418 = arith.addi %add3A_403, %add3A_417 : i32
      %mul3A_419 = arith.constant 80 : i32
      %mul3A_420 = arith.muli %add3A_418, %mul3A_419 : i32
      %dma_start3A_421 = arith.constant 2 : i32
      %dma_start3A_422 = arith.constant 0 : i32
      %dma_start3A_423 = arith.constant 0 : i32
      %dma_start3A_424 = tpu.memref_slice %arg6[%dma_start3A_421, %dma_start3A_422, %dma_start3A_423] : memref<4x80x128xf32, #tpu.memory_space<vmem>> -> memref<1x80x128xf32, #tpu.memory_space<vmem>>
      %dma_start3A_425 = tpu.memref_squeeze %dma_start3A_424 : memref<1x80x128xf32, #tpu.memory_space<vmem>> -> memref<80x128xf32, #tpu.memory_space<vmem>>
      %dma_start3A_426 = tpu.memref_slice %arg5[%mul3A_420] : memref<10000xi32, #tpu.memory_space<vmem>> -> memref<80xi32, #tpu.memory_space<vmem>>
      %dma_start3A_427 = arith.constant 0 : i32
      %dma_start3A_428 = arith.constant 0 : i32
      %dma_start3A_429 = tpu.memref_slice %arg7[%dma_start3A_427, %dma_start3A_428] : memref<10000x128xf32, #tpu.memory_space<vmem_shared>> -> memref<10000x128xf32, #tpu.memory_space<vmem_shared>>
      tpu.enqueue_indirect_dma source(%dma_start3A_429 : memref<10000x128xf32, #tpu.memory_space<vmem_shared>>) target(%dma_start3A_425 : memref<80x128xf32, #tpu.memory_space<vmem>>) offsets(%dma_start3A_426 : memref<80xi32, #tpu.memory_space<vmem>>) semaphore(%arg10 : memref<!tpu.dma_semaphore, #tpu.memory_space<semaphore_mem>>)
      %dma_wait3A_430 = arith.constant 0 : i32
      %dma_wait3A_431 = arith.constant 0 : i32
      %dma_wait3A_432 = arith.constant 0 : i32
      %dma_wait3A_433 = tpu.memref_slice %arg6[%dma_wait3A_430, %dma_wait3A_431, %dma_wait3A_432] : memref<4x80x128xf32, #tpu.memory_space<vmem>> -> memref<1x80x128xf32, #tpu.memory_space<vmem>>
      %dma_wait3A_434 = tpu.memref_squeeze %dma_wait3A_433 : memref<1x80x128xf32, #tpu.memory_space<vmem>> -> memref<80x128xf32, #tpu.memory_space<vmem>>
      %dma_wait3A_435 = arith.constant 0 : i32
      %dma_wait3A_436 = tpu.memref_slice %arg5[%dma_wait3A_435] : memref<10000xi32, #tpu.memory_space<vmem>> -> memref<80xi32, #tpu.memory_space<vmem>>
      %dma_wait3A_437 = arith.constant 0 : i32
      %dma_wait3A_438 = arith.constant 0 : i32
      %dma_wait3A_439 = tpu.memref_slice %arg7[%dma_wait3A_437, %dma_wait3A_438] : memref<10000x128xf32, #tpu.memory_space<vmem_shared>> -> memref<10000x128xf32, #tpu.memory_space<vmem_shared>>
      tpu.wait_indirect_dma semaphore(%arg8 : memref<!tpu.dma_semaphore, #tpu.memory_space<semaphore_mem>>) src(%dma_wait3A_439 : memref<10000x128xf32, #tpu.memory_space<vmem_shared>>) dst(%dma_wait3A_434 : memref<80x128xf32, #tpu.memory_space<vmem>>)
      %mul3A_440 = arith.constant 80 : i32
      %mul3A_441 = arith.muli %add3A_403, %mul3A_440 : i32
      %add3A_442 = arith.addi %add3A, %mul3A_441 : i32
      %dma_start3A_443 = arith.constant 0 : i32
      %dma_start3A_444 = arith.constant 0 : i32
      %dma_start3A_445 = arith.constant 0 : i32
      %dma_start3A_446 = tpu.memref_slice %arg6[%dma_start3A_443, %dma_start3A_444, %dma_start3A_445] : memref<4x80x128xf32, #tpu.memory_space<vmem>> -> memref<1x80x128xf32, #tpu.memory_space<vmem>>
      %dma_start3A_447 = tpu.memref_squeeze %dma_start3A_446 : memref<1x80x128xf32, #tpu.memory_space<vmem>> -> memref<80x128xf32, #tpu.memory_space<vmem>>
      %dma_start3A_448 = arith.constant 0 : i32
      %dma_start3A_449 = tpu.memref_slice %arg4[%add3A_442, %dma_start3A_448] : memref<320000x128xf32, #tpu.memory_space<hbm>> -> memref<80x128xf32, #tpu.memory_space<hbm>>
      %dma_start3A_450 = arith.constant 0 : i32
      %dma_start3A_451 = tpu.memref_slice %arg4[%add3A_442, %dma_start3A_450] : memref<320000x128xf32, #tpu.memory_space<hbm>> -> memref<80x128xf32, #tpu.memory_space<hbm>>
      %dma_start3A_452 = arith.constant 0 : i32
      %dma_start3A_453 = arith.constant 0 : i32
      %dma_start3A_454 = tpu.memref_slice %arg6[%dma_start3A_443, %dma_start3A_452, %dma_start3A_453] : memref<4x80x128xf32, #tpu.memory_space<vmem>> -> memref<1x80x128xf32, #tpu.memory_space<vmem>>
      %dma_start3A_455 = tpu.memref_squeeze %dma_start3A_454 : memref<1x80x128xf32, #tpu.memory_space<vmem>> -> memref<80x128xf32, #tpu.memory_space<vmem>>
      tpu.enqueue_dma source(%dma_start3A_455 : memref<80x128xf32, #tpu.memory_space<vmem>>) target(%dma_start3A_451 : memref<80x128xf32, #tpu.memory_space<hbm>>) target_semaphore(%arg12 : memref<!tpu.dma_semaphore, #tpu.memory_space<semaphore_mem>>)
      %add3A_456 = arith.constant 3 : i32
      %add3A_457 = arith.addi %add3A_293, %add3A_456 : i32
      %dma_wait3A_458 = arith.constant 3 : i32
      %dma_wait3A_459 = arith.constant 0 : i32
      %dma_wait3A_460 = arith.constant 0 : i32
      %dma_wait3A_461 = tpu.memref_slice %arg6[%dma_wait3A_458, %dma_wait3A_459, %dma_wait3A_460] : memref<4x80x128xf32, #tpu.memory_space<vmem>> -> memref<1x80x128xf32, #tpu.memory_space<vmem>>
      %dma_wait3A_462 = tpu.memref_squeeze %dma_wait3A_461 : memref<1x80x128xf32, #tpu.memory_space<vmem>> -> memref<80x128xf32, #tpu.memory_space<vmem>>
      %dma_wait3A_463 = arith.constant 0 : i32
      %dma_wait3A_464 = tpu.memref_slice %arg4[%add3A, %dma_wait3A_463] : memref<320000x128xf32, #tpu.memory_space<hbm>> -> memref<80x128xf32, #tpu.memory_space<hbm>>
      %dma_wait3A_465 = arith.constant 0 : i32
      %dma_wait3A_466 = tpu.memref_slice %arg4[%add3A, %dma_wait3A_465] : memref<320000x128xf32, #tpu.memory_space<hbm>> -> memref<80x128xf32, #tpu.memory_space<hbm>>
      %dma_wait3A_467 = arith.constant 0 : i32
      %dma_wait3A_468 = arith.constant 0 : i32
      %dma_wait3A_469 = tpu.memref_slice %arg6[%dma_wait3A_458, %dma_wait3A_467, %dma_wait3A_468] : memref<4x80x128xf32, #tpu.memory_space<vmem>> -> memref<1x80x128xf32, #tpu.memory_space<vmem>>
      %dma_wait3A_470 = tpu.memref_squeeze %dma_wait3A_469 : memref<1x80x128xf32, #tpu.memory_space<vmem>> -> memref<80x128xf32, #tpu.memory_space<vmem>>
      tpu.wait_dma2 semaphore(%arg15 : memref<!tpu.dma_semaphore, #tpu.memory_space<semaphore_mem>>) src(%dma_wait3A_470 : memref<80x128xf32, #tpu.memory_space<vmem>>) dst(%dma_wait3A_466 : memref<80x128xf32, #tpu.memory_space<hbm>>)
      %add3A_471 = arith.constant 2 : i32
      %add3A_472 = arith.addi %add3A_457, %add3A_471 : i32
      %mul3A_473 = arith.constant 80 : i32
      %mul3A_474 = arith.muli %add3A_472, %mul3A_473 : i32
      %dma_start3A_475 = arith.constant 3 : i32
      %dma_start3A_476 = arith.constant 0 : i32
      %dma_start3A_477 = arith.constant 0 : i32
      %dma_start3A_478 = tpu.memref_slice %arg6[%dma_start3A_475, %dma_start3A_476, %dma_start3A_477] : memref<4x80x128xf32, #tpu.memory_space<vmem>> -> memref<1x80x128xf32, #tpu.memory_space<vmem>>
      %dma_start3A_479 = tpu.memref_squeeze %dma_start3A_478 : memref<1x80x128xf32, #tpu.memory_space<vmem>> -> memref<80x128xf32, #tpu.memory_space<vmem>>
      %dma_start3A_480 = tpu.memref_slice %arg5[%mul3A_474] : memref<10000xi32, #tpu.memory_space<vmem>> -> memref<80xi32, #tpu.memory_space<vmem>>
      %dma_start3A_481 = arith.constant 0 : i32
      %dma_start3A_482 = arith.constant 0 : i32
      %dma_start3A_483 = tpu.memref_slice %arg7[%dma_start3A_481, %dma_start3A_482] : memref<10000x128xf32, #tpu.memory_space<vmem_shared>> -> memref<10000x128xf32, #tpu.memory_space<vmem_shared>>
      tpu.enqueue_indirect_dma source(%dma_start3A_483 : memref<10000x128xf32, #tpu.memory_space<vmem_shared>>) target(%dma_start3A_479 : memref<80x128xf32, #tpu.memory_space<vmem>>) offsets(%dma_start3A_480 : memref<80xi32, #tpu.memory_space<vmem>>) semaphore(%arg11 : memref<!tpu.dma_semaphore, #tpu.memory_space<semaphore_mem>>)
      %dma_wait3A_484 = arith.constant 1 : i32
      %dma_wait3A_485 = arith.constant 0 : i32
      %dma_wait3A_486 = arith.constant 0 : i32
      %dma_wait3A_487 = tpu.memref_slice %arg6[%dma_wait3A_484, %dma_wait3A_485, %dma_wait3A_486] : memref<4x80x128xf32, #tpu.memory_space<vmem>> -> memref<1x80x128xf32, #tpu.memory_space<vmem>>
      %dma_wait3A_488 = tpu.memref_squeeze %dma_wait3A_487 : memref<1x80x128xf32, #tpu.memory_space<vmem>> -> memref<80x128xf32, #tpu.memory_space<vmem>>
      %dma_wait3A_489 = arith.constant 0 : i32
      %dma_wait3A_490 = tpu.memref_slice %arg5[%dma_wait3A_489] : memref<10000xi32, #tpu.memory_space<vmem>> -> memref<80xi32, #tpu.memory_space<vmem>>
      %dma_wait3A_491 = arith.constant 0 : i32
      %dma_wait3A_492 = arith.constant 0 : i32
      %dma_wait3A_493 = tpu.memref_slice %arg7[%dma_wait3A_491, %dma_wait3A_492] : memref<10000x128xf32, #tpu.memory_space<vmem_shared>> -> memref<10000x128xf32, #tpu.memory_space<vmem_shared>>
      tpu.wait_indirect_dma semaphore(%arg9 : memref<!tpu.dma_semaphore, #tpu.memory_space<semaphore_mem>>) src(%dma_wait3A_493 : memref<10000x128xf32, #tpu.memory_space<vmem_shared>>) dst(%dma_wait3A_488 : memref<80x128xf32, #tpu.memory_space<vmem>>)
      %mul3A_494 = arith.constant 80 : i32
      %mul3A_495 = arith.muli %add3A_457, %mul3A_494 : i32
      %add3A_496 = arith.addi %add3A, %mul3A_495 : i32
      %dma_start3A_497 = arith.constant 1 : i32
      %dma_start3A_498 = arith.constant 0 : i32
      %dma_start3A_499 = arith.constant 0 : i32
      %dma_start3A_500 = tpu.memref_slice %arg6[%dma_start3A_497, %dma_start3A_498, %dma_start3A_499] : memref<4x80x128xf32, #tpu.memory_space<vmem>> -> memref<1x80x128xf32, #tpu.memory_space<vmem>>
      %dma_start3A_501 = tpu.memref_squeeze %dma_start3A_500 : memref<1x80x128xf32, #tpu.memory_space<vmem>> -> memref<80x128xf32, #tpu.memory_space<vmem>>
      %dma_start3A_502 = arith.constant 0 : i32
      %dma_start3A_503 = tpu.memref_slice %arg4[%add3A_496, %dma_start3A_502] : memref<320000x128xf32, #tpu.memory_space<hbm>> -> memref<80x128xf32, #tpu.memory_space<hbm>>
      %dma_start3A_504 = arith.constant 0 : i32
      %dma_start3A_505 = tpu.memref_slice %arg4[%add3A_496, %dma_start3A_504] : memref<320000x128xf32, #tpu.memory_space<hbm>> -> memref<80x128xf32, #tpu.memory_space<hbm>>
      %dma_start3A_506 = arith.constant 0 : i32
      %dma_start3A_507 = arith.constant 0 : i32
      %dma_start3A_508 = tpu.memref_slice %arg6[%dma_start3A_497, %dma_start3A_506, %dma_start3A_507] : memref<4x80x128xf32, #tpu.memory_space<vmem>> -> memref<1x80x128xf32, #tpu.memory_space<vmem>>
      %dma_start3A_509 = tpu.memref_squeeze %dma_start3A_508 : memref<1x80x128xf32, #tpu.memory_space<vmem>> -> memref<80x128xf32, #tpu.memory_space<vmem>>
      tpu.enqueue_dma source(%dma_start3A_509 : memref<80x128xf32, #tpu.memory_space<vmem>>) target(%dma_start3A_505 : memref<80x128xf32, #tpu.memory_space<hbm>>) target_semaphore(%arg13 : memref<!tpu.dma_semaphore, #tpu.memory_space<semaphore_mem>>)
    }
    %scan3A_138 = arith.constant 30 : i32
    %dma_wait3A_139 = arith.constant 0 : i32
    %dma_wait3A_140 = arith.constant 0 : i32
    %dma_wait3A_141 = arith.constant 0 : i32
    %dma_wait3A_142 = tpu.memref_slice %arg6[%dma_wait3A_139, %dma_wait3A_140, %dma_wait3A_141] : memref<4x80x128xf32, #tpu.memory_space<vmem>> -> memref<1x80x128xf32, #tpu.memory_space<vmem>>
    %dma_wait3A_143 = tpu.memref_squeeze %dma_wait3A_142 : memref<1x80x128xf32, #tpu.memory_space<vmem>> -> memref<80x128xf32, #tpu.memory_space<vmem>>
    %dma_wait3A_144 = arith.constant 0 : i32
    %dma_wait3A_145 = tpu.memref_slice %arg4[%add3A, %dma_wait3A_144] : memref<320000x128xf32, #tpu.memory_space<hbm>> -> memref<80x128xf32, #tpu.memory_space<hbm>>
    %dma_wait3A_146 = arith.constant 0 : i32
    %dma_wait3A_147 = tpu.memref_slice %arg4[%add3A, %dma_wait3A_146] : memref<320000x128xf32, #tpu.memory_space<hbm>> -> memref<80x128xf32, #tpu.memory_space<hbm>>
    %dma_wait3A_148 = arith.constant 0 : i32
    %dma_wait3A_149 = arith.constant 0 : i32
    %dma_wait3A_150 = tpu.memref_slice %arg6[%dma_wait3A_139, %dma_wait3A_148, %dma_wait3A_149] : memref<4x80x128xf32, #tpu.memory_space<vmem>> -> memref<1x80x128xf32, #tpu.memory_space<vmem>>
    %dma_wait3A_151 = tpu.memref_squeeze %dma_wait3A_150 : memref<1x80x128xf32, #tpu.memory_space<vmem>> -> memref<80x128xf32, #tpu.memory_space<vmem>>
    tpu.wait_dma2 semaphore(%arg12 : memref<!tpu.dma_semaphore, #tpu.memory_space<semaphore_mem>>) src(%dma_wait3A_151 : memref<80x128xf32, #tpu.memory_space<vmem>>) dst(%dma_wait3A_147 : memref<80x128xf32, #tpu.memory_space<hbm>>)
    %dma_start3A_152 = arith.constant 0 : i32
    %dma_start3A_153 = arith.constant 0 : i32
    %dma_start3A_154 = arith.constant 0 : i32
    %dma_start3A_155 = tpu.memref_slice %arg6[%dma_start3A_152, %dma_start3A_153, %dma_start3A_154] : memref<4x80x128xf32, #tpu.memory_space<vmem>> -> memref<1x80x128xf32, #tpu.memory_space<vmem>>
    %dma_start3A_156 = tpu.memref_squeeze %dma_start3A_155 : memref<1x80x128xf32, #tpu.memory_space<vmem>> -> memref<80x128xf32, #tpu.memory_space<vmem>>
    %dma_start3A_157 = arith.constant 9920 : i32
    %dma_start3A_158 = tpu.memref_slice %arg5[%dma_start3A_157] : memref<10000xi32, #tpu.memory_space<vmem>> -> memref<80xi32, #tpu.memory_space<vmem>>
    %dma_start3A_159 = arith.constant 0 : i32
    %dma_start3A_160 = arith.constant 0 : i32
    %dma_start3A_161 = tpu.memref_slice %arg7[%dma_start3A_159, %dma_start3A_160] : memref<10000x128xf32, #tpu.memory_space<vmem_shared>> -> memref<10000x128xf32, #tpu.memory_space<vmem_shared>>
    tpu.enqueue_indirect_dma source(%dma_start3A_161 : memref<10000x128xf32, #tpu.memory_space<vmem_shared>>) target(%dma_start3A_156 : memref<80x128xf32, #tpu.memory_space<vmem>>) offsets(%dma_start3A_158 : memref<80xi32, #tpu.memory_space<vmem>>) semaphore(%arg8 : memref<!tpu.dma_semaphore, #tpu.memory_space<semaphore_mem>>)
    %dma_wait3A_162 = arith.constant 2 : i32
    %dma_wait3A_163 = arith.constant 0 : i32
    %dma_wait3A_164 = arith.constant 0 : i32
    %dma_wait3A_165 = tpu.memref_slice %arg6[%dma_wait3A_162, %dma_wait3A_163, %dma_wait3A_164] : memref<4x80x128xf32, #tpu.memory_space<vmem>> -> memref<1x80x128xf32, #tpu.memory_space<vmem>>
    %dma_wait3A_166 = tpu.memref_squeeze %dma_wait3A_165 : memref<1x80x128xf32, #tpu.memory_space<vmem>> -> memref<80x128xf32, #tpu.memory_space<vmem>>
    %dma_wait3A_167 = arith.constant 0 : i32
    %dma_wait3A_168 = tpu.memref_slice %arg5[%dma_wait3A_167] : memref<10000xi32, #tpu.memory_space<vmem>> -> memref<80xi32, #tpu.memory_space<vmem>>
    %dma_wait3A_169 = arith.constant 0 : i32
    %dma_wait3A_170 = arith.constant 0 : i32
    %dma_wait3A_171 = tpu.memref_slice %arg7[%dma_wait3A_169, %dma_wait3A_170] : memref<10000x128xf32, #tpu.memory_space<vmem_shared>> -> memref<10000x128xf32, #tpu.memory_space<vmem_shared>>
    tpu.wait_indirect_dma semaphore(%arg10 : memref<!tpu.dma_semaphore, #tpu.memory_space<semaphore_mem>>) src(%dma_wait3A_171 : memref<10000x128xf32, #tpu.memory_space<vmem_shared>>) dst(%dma_wait3A_166 : memref<80x128xf32, #tpu.memory_space<vmem>>)
    %add3A_172 = arith.constant 9760 : i32
    %add3A_173 = arith.addi %add3A, %add3A_172 : i32
    %dma_start3A_174 = arith.constant 2 : i32
    %dma_start3A_175 = arith.constant 0 : i32
    %dma_start3A_176 = arith.constant 0 : i32
    %dma_start3A_177 = tpu.memref_slice %arg6[%dma_start3A_174, %dma_start3A_175, %dma_start3A_176] : memref<4x80x128xf32, #tpu.memory_space<vmem>> -> memref<1x80x128xf32, #tpu.memory_space<vmem>>
    %dma_start3A_178 = tpu.memref_squeeze %dma_start3A_177 : memref<1x80x128xf32, #tpu.memory_space<vmem>> -> memref<80x128xf32, #tpu.memory_space<vmem>>
    %dma_start3A_179 = arith.constant 0 : i32
    %dma_start3A_180 = tpu.memref_slice %arg4[%add3A_173, %dma_start3A_179] : memref<320000x128xf32, #tpu.memory_space<hbm>> -> memref<80x128xf32, #tpu.memory_space<hbm>>
    %dma_start3A_181 = arith.constant 0 : i32
    %dma_start3A_182 = tpu.memref_slice %arg4[%add3A_173, %dma_start3A_181] : memref<320000x128xf32, #tpu.memory_space<hbm>> -> memref<80x128xf32, #tpu.memory_space<hbm>>
    %dma_start3A_183 = arith.constant 0 : i32
    %dma_start3A_184 = arith.constant 0 : i32
    %dma_start3A_185 = tpu.memref_slice %arg6[%dma_start3A_174, %dma_start3A_183, %dma_start3A_184] : memref<4x80x128xf32, #tpu.memory_space<vmem>> -> memref<1x80x128xf32, #tpu.memory_space<vmem>>
    %dma_start3A_186 = tpu.memref_squeeze %dma_start3A_185 : memref<1x80x128xf32, #tpu.memory_space<vmem>> -> memref<80x128xf32, #tpu.memory_space<vmem>>
    tpu.enqueue_dma source(%dma_start3A_186 : memref<80x128xf32, #tpu.memory_space<vmem>>) target(%dma_start3A_182 : memref<80x128xf32, #tpu.memory_space<hbm>>) target_semaphore(%arg14 : memref<!tpu.dma_semaphore, #tpu.memory_space<semaphore_mem>>)
    %dma_wait3A_187 = arith.constant 3 : i32
    %dma_wait3A_188 = arith.constant 0 : i32
    %dma_wait3A_189 = arith.constant 0 : i32
    %dma_wait3A_190 = tpu.memref_slice %arg6[%dma_wait3A_187, %dma_wait3A_188, %dma_wait3A_189] : memref<4x80x128xf32, #tpu.memory_space<vmem>> -> memref<1x80x128xf32, #tpu.memory_space<vmem>>
    %dma_wait3A_191 = tpu.memref_squeeze %dma_wait3A_190 : memref<1x80x128xf32, #tpu.memory_space<vmem>> -> memref<80x128xf32, #tpu.memory_space<vmem>>
    %dma_wait3A_192 = arith.constant 0 : i32
    %dma_wait3A_193 = tpu.memref_slice %arg5[%dma_wait3A_192] : memref<10000xi32, #tpu.memory_space<vmem>> -> memref<80xi32, #tpu.memory_space<vmem>>
    %dma_wait3A_194 = arith.constant 0 : i32
    %dma_wait3A_195 = arith.constant 0 : i32
    %dma_wait3A_196 = tpu.memref_slice %arg7[%dma_wait3A_194, %dma_wait3A_195] : memref<10000x128xf32, #tpu.memory_space<vmem_shared>> -> memref<10000x128xf32, #tpu.memory_space<vmem_shared>>
    tpu.wait_indirect_dma semaphore(%arg11 : memref<!tpu.dma_semaphore, #tpu.memory_space<semaphore_mem>>) src(%dma_wait3A_196 : memref<10000x128xf32, #tpu.memory_space<vmem_shared>>) dst(%dma_wait3A_191 : memref<80x128xf32, #tpu.memory_space<vmem>>)
    %add3A_197 = arith.constant 9840 : i32
    %add3A_198 = arith.addi %add3A, %add3A_197 : i32
    %dma_start3A_199 = arith.constant 3 : i32
    %dma_start3A_200 = arith.constant 0 : i32
    %dma_start3A_201 = arith.constant 0 : i32
    %dma_start3A_202 = tpu.memref_slice %arg6[%dma_start3A_199, %dma_start3A_200, %dma_start3A_201] : memref<4x80x128xf32, #tpu.memory_space<vmem>> -> memref<1x80x128xf32, #tpu.memory_space<vmem>>
    %dma_start3A_203 = tpu.memref_squeeze %dma_start3A_202 : memref<1x80x128xf32, #tpu.memory_space<vmem>> -> memref<80x128xf32, #tpu.memory_space<vmem>>
    %dma_start3A_204 = arith.constant 0 : i32
    %dma_start3A_205 = tpu.memref_slice %arg4[%add3A_198, %dma_start3A_204] : memref<320000x128xf32, #tpu.memory_space<hbm>> -> memref<80x128xf32, #tpu.memory_space<hbm>>
    %dma_start3A_206 = arith.constant 0 : i32
    %dma_start3A_207 = tpu.memref_slice %arg4[%add3A_198, %dma_start3A_206] : memref<320000x128xf32, #tpu.memory_space<hbm>> -> memref<80x128xf32, #tpu.memory_space<hbm>>
    %dma_start3A_208 = arith.constant 0 : i32
    %dma_start3A_209 = arith.constant 0 : i32
    %dma_start3A_210 = tpu.memref_slice %arg6[%dma_start3A_199, %dma_start3A_208, %dma_start3A_209] : memref<4x80x128xf32, #tpu.memory_space<vmem>> -> memref<1x80x128xf32, #tpu.memory_space<vmem>>
    %dma_start3A_211 = tpu.memref_squeeze %dma_start3A_210 : memref<1x80x128xf32, #tpu.memory_space<vmem>> -> memref<80x128xf32, #tpu.memory_space<vmem>>
    tpu.enqueue_dma source(%dma_start3A_211 : memref<80x128xf32, #tpu.memory_space<vmem>>) target(%dma_start3A_207 : memref<80x128xf32, #tpu.memory_space<hbm>>) target_semaphore(%arg15 : memref<!tpu.dma_semaphore, #tpu.memory_space<semaphore_mem>>)
    %dma_wait3A_212 = arith.constant 0 : i32
    %dma_wait3A_213 = arith.constant 0 : i32
    %dma_wait3A_214 = arith.constant 0 : i32
    %dma_wait3A_215 = tpu.memref_slice %arg6[%dma_wait3A_212, %dma_wait3A_213, %dma_wait3A_214] : memref<4x80x128xf32, #tpu.memory_space<vmem>> -> memref<1x80x128xf32, #tpu.memory_space<vmem>>
    %dma_wait3A_216 = tpu.memref_squeeze %dma_wait3A_215 : memref<1x80x128xf32, #tpu.memory_space<vmem>> -> memref<80x128xf32, #tpu.memory_space<vmem>>
    %dma_wait3A_217 = arith.constant 0 : i32
    %dma_wait3A_218 = tpu.memref_slice %arg5[%dma_wait3A_217] : memref<10000xi32, #tpu.memory_space<vmem>> -> memref<80xi32, #tpu.memory_space<vmem>>
    %dma_wait3A_219 = arith.constant 0 : i32
    %dma_wait3A_220 = arith.constant 0 : i32
    %dma_wait3A_221 = tpu.memref_slice %arg7[%dma_wait3A_219, %dma_wait3A_220] : memref<10000x128xf32, #tpu.memory_space<vmem_shared>> -> memref<10000x128xf32, #tpu.memory_space<vmem_shared>>
    tpu.wait_indirect_dma semaphore(%arg8 : memref<!tpu.dma_semaphore, #tpu.memory_space<semaphore_mem>>) src(%dma_wait3A_221 : memref<10000x128xf32, #tpu.memory_space<vmem_shared>>) dst(%dma_wait3A_216 : memref<80x128xf32, #tpu.memory_space<vmem>>)
    %add3A_222 = arith.constant 9920 : i32
    %add3A_223 = arith.addi %add3A, %add3A_222 : i32
    %dma_start3A_224 = arith.constant 0 : i32
    %dma_start3A_225 = arith.constant 0 : i32
    %dma_start3A_226 = arith.constant 0 : i32
    %dma_start3A_227 = tpu.memref_slice %arg6[%dma_start3A_224, %dma_start3A_225, %dma_start3A_226] : memref<4x80x128xf32, #tpu.memory_space<vmem>> -> memref<1x80x128xf32, #tpu.memory_space<vmem>>
    %dma_start3A_228 = tpu.memref_squeeze %dma_start3A_227 : memref<1x80x128xf32, #tpu.memory_space<vmem>> -> memref<80x128xf32, #tpu.memory_space<vmem>>
    %dma_start3A_229 = arith.constant 0 : i32
    %dma_start3A_230 = tpu.memref_slice %arg4[%add3A_223, %dma_start3A_229] : memref<320000x128xf32, #tpu.memory_space<hbm>> -> memref<80x128xf32, #tpu.memory_space<hbm>>
    %dma_start3A_231 = arith.constant 0 : i32
    %dma_start3A_232 = tpu.memref_slice %arg4[%add3A_223, %dma_start3A_231] : memref<320000x128xf32, #tpu.memory_space<hbm>> -> memref<80x128xf32, #tpu.memory_space<hbm>>
    %dma_start3A_233 = arith.constant 0 : i32
    %dma_start3A_234 = arith.constant 0 : i32
    %dma_start3A_235 = tpu.memref_slice %arg6[%dma_start3A_224, %dma_start3A_233, %dma_start3A_234] : memref<4x80x128xf32, #tpu.memory_space<vmem>> -> memref<1x80x128xf32, #tpu.memory_space<vmem>>
    %dma_start3A_236 = tpu.memref_squeeze %dma_start3A_235 : memref<1x80x128xf32, #tpu.memory_space<vmem>> -> memref<80x128xf32, #tpu.memory_space<vmem>>
    tpu.enqueue_dma source(%dma_start3A_236 : memref<80x128xf32, #tpu.memory_space<vmem>>) target(%dma_start3A_232 : memref<80x128xf32, #tpu.memory_space<hbm>>) target_semaphore(%arg12 : memref<!tpu.dma_semaphore, #tpu.memory_space<semaphore_mem>>)
    %dma_wait3A_237 = arith.constant 1 : i32
    %dma_wait3A_238 = arith.constant 0 : i32
    %dma_wait3A_239 = arith.constant 0 : i32
    %dma_wait3A_240 = tpu.memref_slice %arg6[%dma_wait3A_237, %dma_wait3A_238, %dma_wait3A_239] : memref<4x80x128xf32, #tpu.memory_space<vmem>> -> memref<1x80x128xf32, #tpu.memory_space<vmem>>
    %dma_wait3A_241 = tpu.memref_squeeze %dma_wait3A_240 : memref<1x80x128xf32, #tpu.memory_space<vmem>> -> memref<80x128xf32, #tpu.memory_space<vmem>>
    %dma_wait3A_242 = arith.constant 0 : i32
    %dma_wait3A_243 = tpu.memref_slice %arg4[%add3A, %dma_wait3A_242] : memref<320000x128xf32, #tpu.memory_space<hbm>> -> memref<80x128xf32, #tpu.memory_space<hbm>>
    %dma_wait3A_244 = arith.constant 0 : i32
    %dma_wait3A_245 = tpu.memref_slice %arg4[%add3A, %dma_wait3A_244] : memref<320000x128xf32, #tpu.memory_space<hbm>> -> memref<80x128xf32, #tpu.memory_space<hbm>>
    %dma_wait3A_246 = arith.constant 0 : i32
    %dma_wait3A_247 = arith.constant 0 : i32
    %dma_wait3A_248 = tpu.memref_slice %arg6[%dma_wait3A_237, %dma_wait3A_246, %dma_wait3A_247] : memref<4x80x128xf32, #tpu.memory_space<vmem>> -> memref<1x80x128xf32, #tpu.memory_space<vmem>>
    %dma_wait3A_249 = tpu.memref_squeeze %dma_wait3A_248 : memref<1x80x128xf32, #tpu.memory_space<vmem>> -> memref<80x128xf32, #tpu.memory_space<vmem>>
    tpu.wait_dma2 semaphore(%arg13 : memref<!tpu.dma_semaphore, #tpu.memory_space<semaphore_mem>>) src(%dma_wait3A_249 : memref<80x128xf32, #tpu.memory_space<vmem>>) dst(%dma_wait3A_245 : memref<80x128xf32, #tpu.memory_space<hbm>>)
    %dma_wait3A_250 = arith.constant 2 : i32
    %dma_wait3A_251 = arith.constant 0 : i32
    %dma_wait3A_252 = arith.constant 0 : i32
    %dma_wait3A_253 = tpu.memref_slice %arg6[%dma_wait3A_250, %dma_wait3A_251, %dma_wait3A_252] : memref<4x80x128xf32, #tpu.memory_space<vmem>> -> memref<1x80x128xf32, #tpu.memory_space<vmem>>
    %dma_wait3A_254 = tpu.memref_squeeze %dma_wait3A_253 : memref<1x80x128xf32, #tpu.memory_space<vmem>> -> memref<80x128xf32, #tpu.memory_space<vmem>>
    %dma_wait3A_255 = arith.constant 0 : i32
    %dma_wait3A_256 = tpu.memref_slice %arg4[%add3A, %dma_wait3A_255] : memref<320000x128xf32, #tpu.memory_space<hbm>> -> memref<80x128xf32, #tpu.memory_space<hbm>>
    %dma_wait3A_257 = arith.constant 0 : i32
    %dma_wait3A_258 = tpu.memref_slice %arg4[%add3A, %dma_wait3A_257] : memref<320000x128xf32, #tpu.memory_space<hbm>> -> memref<80x128xf32, #tpu.memory_space<hbm>>
    %dma_wait3A_259 = arith.constant 0 : i32
    %dma_wait3A_260 = arith.constant 0 : i32
    %dma_wait3A_261 = tpu.memref_slice %arg6[%dma_wait3A_250, %dma_wait3A_259, %dma_wait3A_260] : memref<4x80x128xf32, #tpu.memory_space<vmem>> -> memref<1x80x128xf32, #tpu.memory_space<vmem>>
    %dma_wait3A_262 = tpu.memref_squeeze %dma_wait3A_261 : memref<1x80x128xf32, #tpu.memory_space<vmem>> -> memref<80x128xf32, #tpu.memory_space<vmem>>
    tpu.wait_dma2 semaphore(%arg14 : memref<!tpu.dma_semaphore, #tpu.memory_space<semaphore_mem>>) src(%dma_wait3A_262 : memref<80x128xf32, #tpu.memory_space<vmem>>) dst(%dma_wait3A_258 : memref<80x128xf32, #tpu.memory_space<hbm>>)
    %dma_wait3A_263 = arith.constant 3 : i32
    %dma_wait3A_264 = arith.constant 0 : i32
    %dma_wait3A_265 = arith.constant 0 : i32
    %dma_wait3A_266 = tpu.memref_slice %arg6[%dma_wait3A_263, %dma_wait3A_264, %dma_wait3A_265] : memref<4x80x128xf32, #tpu.memory_space<vmem>> -> memref<1x80x128xf32, #tpu.memory_space<vmem>>
    %dma_wait3A_267 = tpu.memref_squeeze %dma_wait3A_266 : memref<1x80x128xf32, #tpu.memory_space<vmem>> -> memref<80x128xf32, #tpu.memory_space<vmem>>
    %dma_wait3A_268 = arith.constant 0 : i32
    %dma_wait3A_269 = tpu.memref_slice %arg4[%add3A, %dma_wait3A_268] : memref<320000x128xf32, #tpu.memory_space<hbm>> -> memref<80x128xf32, #tpu.memory_space<hbm>>
    %dma_wait3A_270 = arith.constant 0 : i32
    %dma_wait3A_271 = tpu.memref_slice %arg4[%add3A, %dma_wait3A_270] : memref<320000x128xf32, #tpu.memory_space<hbm>> -> memref<80x128xf32, #tpu.memory_space<hbm>>
    %dma_wait3A_272 = arith.constant 0 : i32
    %dma_wait3A_273 = arith.constant 0 : i32
    %dma_wait3A_274 = tpu.memref_slice %arg6[%dma_wait3A_263, %dma_wait3A_272, %dma_wait3A_273] : memref<4x80x128xf32, #tpu.memory_space<vmem>> -> memref<1x80x128xf32, #tpu.memory_space<vmem>>
    %dma_wait3A_275 = tpu.memref_squeeze %dma_wait3A_274 : memref<1x80x128xf32, #tpu.memory_space<vmem>> -> memref<80x128xf32, #tpu.memory_space<vmem>>
    tpu.wait_dma2 semaphore(%arg15 : memref<!tpu.dma_semaphore, #tpu.memory_space<semaphore_mem>>) src(%dma_wait3A_275 : memref<80x128xf32, #tpu.memory_space<vmem>>) dst(%dma_wait3A_271 : memref<80x128xf32, #tpu.memory_space<hbm>>)
    %dma_wait3A_276 = arith.constant 0 : i32
    %dma_wait3A_277 = arith.constant 0 : i32
    %dma_wait3A_278 = arith.constant 0 : i32
    %dma_wait3A_279 = tpu.memref_slice %arg6[%dma_wait3A_276, %dma_wait3A_277, %dma_wait3A_278] : memref<4x80x128xf32, #tpu.memory_space<vmem>> -> memref<1x80x128xf32, #tpu.memory_space<vmem>>
    %dma_wait3A_280 = tpu.memref_squeeze %dma_wait3A_279 : memref<1x80x128xf32, #tpu.memory_space<vmem>> -> memref<80x128xf32, #tpu.memory_space<vmem>>
    %dma_wait3A_281 = arith.constant 0 : i32
    %dma_wait3A_282 = tpu.memref_slice %arg4[%add3A, %dma_wait3A_281] : memref<320000x128xf32, #tpu.memory_space<hbm>> -> memref<80x128xf32, #tpu.memory_space<hbm>>
    %dma_wait3A_283 = arith.constant 0 : i32
    %dma_wait3A_284 = tpu.memref_slice %arg4[%add3A, %dma_wait3A_283] : memref<320000x128xf32, #tpu.memory_space<hbm>> -> memref<80x128xf32, #tpu.memory_space<hbm>>
    %dma_wait3A_285 = arith.constant 0 : i32
    %dma_wait3A_286 = arith.constant 0 : i32
    %dma_wait3A_287 = tpu.memref_slice %arg6[%dma_wait3A_276, %dma_wait3A_285, %dma_wait3A_286] : memref<4x80x128xf32, #tpu.memory_space<vmem>> -> memref<1x80x128xf32, #tpu.memory_space<vmem>>
    %dma_wait3A_288 = tpu.memref_squeeze %dma_wait3A_287 : memref<1x80x128xf32, #tpu.memory_space<vmem>> -> memref<80x128xf32, #tpu.memory_space<vmem>>
    tpu.wait_dma2 semaphore(%arg12 : memref<!tpu.dma_semaphore, #tpu.memory_space<semaphore_mem>>) src(%dma_wait3A_288 : memref<80x128xf32, #tpu.memory_space<vmem>>) dst(%dma_wait3A_284 : memref<80x128xf32, #tpu.memory_space<hbm>>)
    return
  }
}

</mosaic_0001>

<sc_bundles>
// kernel: kernel.3.cloned.1.call-start
scs
__scs_entry_jumppad:
0x0: {  	(pc) =	sbr.rel $0x88, $3  }
0x1: {  	(tag) =	ssettag $0x0;
	lr =	simm.s32 $0x1  }
0x2: {  	[smem:$0x3F9F] =	sst lr;
	_ =	strace $0xD0000000  }
0x3: {  	_ = 	snop  }
0x4: {  	_ = 	snop  }
0x5: {  	_ = 	snop  }
0x6: {  	_ = 	snop  }
0x7: {  	_ = 	snop  }
__scs_overlays_trampoline_lowered:
0x8: {  	[smem:$0x3FAE] =	sst s0  }
0x9: {  	[smem:$0x3FAF] =	sst s1  }
0xa: {  	[smem:$0x3FB0] =	sst s2  }
0xb: {  	[smem:$0x3FB1] =	sst s3  }
0xc: {  	[smem:$0x3FB2] =	sst s4  }
0xd: {  	[smem:$0x3FB3] =	sst s5  }
0xe: {  	[smem:$0x3FB4] =	sst s6  }
0xf: {  	[smem:$0x3FB5] =	sst s7  }
0x10: {  	[smem:$0x3FB6] =	sst s8  }
0x11: {  	[smem:$0x3FB7] =	sst s9;
	s0 =	simm.s32 @!p0 $0x0  }
0x12: {  	s1 =	sld [smem:$0x3F9D];
	s0 =	simm.s32 @p0 $0x1  }
0x13: {  	[smem:$0x3FB8] =	sst s0;
	s0 =	simm.s32 @!p1 $0x0  }
0x14: {  	s2 =	sld [smem:$0x3F9C];
	s0 =	simm.s32 @p1 $0x1  }
0x15: {  	[smem:$0x3FB9] =	sst s0;
	s0 =	simm.s32 @!p2 $0x0  }
0x16: {  	s3 =	sld [smem:$0x3FDB];
	s0 =	simm.s32 @p2 $0x1  }
0x17: {  	s4 =	simm.s32 $0x1BF5;
	[smem:$0x3FBB] =	sst s0  }
0x18: {  	s0 =	sld [smem:$0x3F9E];
	_ =	swait.ge [sflag:s4], $0x0  }
0x19: {  	s7 =	sld [smem:$0x3F9F]  }
0x1a: {  	s8 =	sadd.s32 $0xFFFFE003, lr  }
0x1b: {  	s9 =	sadd.s32 $0xFFFFFEF7, lr;
	s5 =	simm.s32 $0xFFFFFFFF;
	p2 =	slt.u32 s8, $0xFFFFF086  }
0x1c: {  	p1 =	slt.u32 s9, $0xF7A;
	s5 =	simm.s32 @!p2 $0x0  }
0x1d: {  	s5 =	simm.s32 @p1 $0x1;
	p0 =	seq.s32 s7, s2  }
0x1e: {  	s7 =	smul.u32 @!p0 $0xF7A, s2;
	p2 =	seq.s32 @!p0 s5, $0x0  }
0x1f: {  	s9 =	smul.u32 $0xF7A, s1;
	s8 =	simm.s32 @!p0 $0x1BF5;
	p2 =	por !p2, p0  }
0x20: {  	[sflag:s8] =	ssyncset.s32 @!p0 $0xFFFFF086;
	s6 =	sadd.s32 @!p0 s3, s7;
	s7 =	simm.s32 @!p0 $0x108  }
0x21: {  	s3 =	sadd.s32 s3, s9;
	s6 =	sadd.s32 @!p0 $0x88, s6;
	s7 =	simm.s32 @p2 $0x1082  }
0x22: {  	[simem:s7], [sflag:s8] =	dma.local @!p0 [hbm:s6], $0xF7A  }
0x23: {  	s9 =	sor.u32 $0xD0000000, s2;
	s6 =	simm.s32 $0x108;
	_ =	swait.ge @!p0 [sflag:s8], $0x0  }
0x24: {  	s3 =	sadd.s32 $0x88, s3;
	s6 =	simm.s32 @!p1 $0x1082;
	[sflag:s4] =	ssyncset.s32 $0xFFFFF086  }
0x25: {  	[simem:s6], [sflag:s4] =	dma.local [hbm:s3], $0xF7A  }
0x26: {  	[smem:$0x3F9F] =	sst s1;
	(tag) =	ssettag s2;
	_ =	strace s9  }
0x27: {  	s1 =	sld [smem:$0x3FAF]  }
0x28: {  	s2 =	sld [smem:$0x3FB0]  }
0x29: {  	s4 =	sld [smem:$0x3FB2]  }
0x2a: {  	p0 =	seq.s32 s5, $0x0;
	s5 =	sld [smem:$0x3FB3]  }
0x2b: {  	s6 =	sld [smem:$0x3FB4]  }
0x2c: {  	s7 =	sld [smem:$0x3FB5]  }
0x2d: {  	s3 =	simm.s32 $0x108;
	s8 =	sld [smem:$0x3FB6]  }
0x2e: {  	s3 =	simm.s32 @!p0 $0x1082;
	s9 =	sld [smem:$0x3FB7]  }
0x2f: {  	lr =	sadd.s32 s0, s3;
	s0 =	sld [smem:$0x3FAE]  }
0x30: {  	s3 =	sld [smem:$0x3FB1]  }
0x31: {  	[smem:$0x3FBA] =	sst s10  }
0x32: {  	s10 =	sld [smem:$0x3FB8];
	_ =	sdelay $0x3  }
0x33: {  	p0 =	seq.s32 s10, $0x1;
	s10 =	sld [smem:$0x3FBA];
	_ =	sdelay $0x3  }
0x34: {  	[smem:$0x3FBA] =	sst s10  }
0x35: {  	s10 =	sld [smem:$0x3FB9];
	_ =	sdelay $0x3  }
0x36: {  	p1 =	seq.s32 s10, $0x1;
	s10 =	sld [smem:$0x3FBA];
	_ =	sdelay $0x3  }
0x37: {  	[smem:$0x3FBA] =	sst s10  }
0x38: {  	s10 =	sld [smem:$0x3FBB]  }
0x39: {  	_ = 	snop;
	(pc) =	sbr.ind lr, $3  }
0x3a: {  	_ = 	snop  }
0x3b: {  	_ = 	snop  }
0x3c: {  	p2 =	seq.s32 s10, $0x1;
	s10 =	sld [smem:$0x3FBA]  }
0x3d: {  	_ =	shalt  }
0x3e: {  	_ =	shalt  }
0x3f: {  	_ =	shalt  }
0x40: {  	_ =	shalt  }
0x41: {  	_ =	shalt  }
0x42: {  	_ =	shalt  }
0x43: {  	_ =	shalt  }
0x44: {  	_ =	shalt  }
0x45: {  	_ =	shalt  }
0x46: {  	_ =	shalt  }
0x47: {  	_ =	shalt  }
0x48: {  	_ =	shalt  }
0x49: {  	_ =	shalt  }
0x4a: {  	_ =	shalt  }
0x4b: {  	_ =	shalt  }
0x4c: {  	_ =	shalt  }
0x4d: {  	_ =	shalt  }
0x4e: {  	_ =	shalt  }
0x4f: {  	_ =	shalt  }
0x50: {  	_ =	shalt  }
0x51: {  	_ =	shalt  }
0x52: {  	_ =	shalt  }
0x53: {  	_ =	shalt  }
0x54: {  	_ =	shalt  }
0x55: {  	_ =	shalt  }
0x56: {  	_ =	shalt  }
0x57: {  	_ =	shalt  }
0x58: {  	_ =	shalt  }
0x59: {  	_ =	shalt  }
0x5a: {  	_ =	shalt  }
0x5b: {  	_ =	shalt  }
0x5c: {  	_ =	shalt  }
0x5d: {  	_ =	shalt  }
0x5e: {  	_ =	shalt  }
0x5f: {  	_ =	shalt  }
0x60: {  	_ =	shalt  }
0x61: {  	_ =	shalt  }
0x62: {  	_ =	shalt  }
0x63: {  	_ =	shalt  }
0x64: {  	_ =	shalt  }
0x65: {  	_ =	shalt  }
0x66: {  	_ =	shalt  }
0x67: {  	_ =	shalt  }
0x68: {  	_ =	shalt  }
0x69: {  	_ =	shalt  }
0x6a: {  	_ =	shalt  }
0x6b: {  	_ =	shalt  }
0x6c: {  	_ =	shalt  }
0x6d: {  	_ =	shalt  }
0x6e: {  	_ =	shalt  }
0x6f: {  	_ =	shalt  }
0x70: {  	_ =	shalt  }
0x71: {  	_ =	shalt  }
0x72: {  	_ =	shalt  }
0x73: {  	_ =	shalt  }
0x74: {  	_ =	shalt  }
0x75: {  	_ =	shalt  }
0x76: {  	_ =	shalt  }
0x77: {  	_ =	shalt  }
0x78: {  	_ =	shalt  }
0x79: {  	_ =	shalt  }
0x7a: {  	_ =	shalt  }
0x7b: {  	_ =	shalt  }
0x7c: {  	_ =	shalt  }
0x7d: {  	_ =	shalt  }
0x7e: {  	_ =	shalt  }
0x7f: {  	_ =	shalt  }
0x80: {  	_ =	shalt  }
0x81: {  	_ =	shalt  }
0x82: {  	_ =	shalt  }
0x83: {  	_ =	shalt  }
0x84: {  	_ =	shalt  }
0x85: {  	_ =	shalt  }
0x86: {  	_ =	shalt  }
0x87: {  	_ =	shalt  }
.Lfunc_end0:
.L_simem_size_0:
called_computation_lowered:
.L_overlay_start_0:
0x88: {  	s2 =	sld [smem:$0x3FD9]  }
0x89: {  	s3 =	sld [smem:$0x3FFE];
	_ =	sdelay $0x1  }
0x8a: {  	s1 =	srdreg.scid  }
0x8b: {  	s0 =	sand.u32 $0x1, s1  }
0x8c: {  	s17 =	sshll.u32 s0, $0xA;
	s2 =	sadd.s32 s3, s2  }
0x8d: {  	s2 =	sadd.s32 s2, s17  }
0x8e: {  	[smem:$0x3FC6] =	sst s2  }
0x8f: {  	_ = 	snop  }
0x90: {  	s2 =	sld [smem:$0x3FC9]  }
0x91: {  	s18 =	sld [smem:$0x3FD0];
	(tm) =	ssettm $0x1  }
0x92: {  	s4 =	sld [smem:$0x3FFB];
	_ =	sdelay $0x3  }
0x93: {  	_ =	strace s4  }
0x94: {  	s4 =	sld [smem:$0x3FFC];
	_ =	sdelay $0x3  }
0x95: {  	_ =	strace s4  }
0x96: {  	s4 =	sld [smem:$0x3FFD];
	_ =	sdelay $0x3  }
0x97: {  	_ =	strace s4  }
0x98: {  	_ =	strace $0x8FFFFFFF  }
0x99: {  	s19 =	sld [smem:$0x3FDB];
	_ =	sdelay $0x1  }
0x9a: {  	s5 =	simm.s32 $_scs_section_size  }
0x9b: {  	s6 =	simm.s32 $_size__tile_overlayer_lowered;
	s7 =	simm.s32 $_tile_overlayer_lowered  }
0x9c: {  	s22 =	simm.s32 $0x1BFF;
	s21 =	sshll.u32 s7, $0x1;
	s4 =	sadd.s32 s5, s19  }
0x9d: {  	s8 =	simm.s32 $0x0;
	s20 =	sshll.u32 s6, $0x1;
	s6 =	sadd.s32 s21, s4  }
0x9e: {  	[timem:s8], [sflag:s22] =	dma.local [hbm:s6], s20  }
0x9f: {  	_ =	swait.ge [sflag:s22], s20  }
0xa0: {  	s5 =	ssub.s32 $0x0, s20;
	[sflag:s22] =	ssyncset.done $0x0  }
0xa1: {  	[sflag:s22] =	ssyncadd.s32 s5;
	_ =	sdelay $0x1  }
0xa2: {  	s23 =	simm.s32 $0x1B8B  }
0xa3: {  	_ =	swait.ge [sflag:s23], $0x1  }
0xa4: {  	[sflag:s23] =	ssyncset.done $0x0  }
0xa5: {  	s25 =	simm.s32 $0x1B8E;
	s24 =	sld [smem:$0x3FFE];
	[sflag:s23] =	ssyncadd.s32 $0xFFFFFFFF  }
0xa6: {  	s26 =	simm.s32 $execute0_lowered;
	[smem:$0x3FD2] =	sst s25  }
0xa7: {  	s6 =	sshll.u32 s26, $0x1;
	_ =	strace $0x80000046;
	[dreg:$0x1] =	wrdreg $0xFFFFFFFF  }
0xa8: {  	s28 =	simm.s32 $_size_execute0_lowered;
	s4 =	sadd.s32 s4, s6;
	[dreg:$0x0] =	wrdreg $0x0  }
0xa9: {  	s6 =	sshll.u32 s28, $0x1;
	[dreg:$0x2] =	wrdreg s4  }
0xaa: {  	[dreg:$0x3] =	wrdreg s6  }
0xab: {  	[dreg:$0x4] =	wrdreg $0xC0  }
0xac: {  	_ =	task [dreg:s8], $0x5FFFF  }
0xad: {  	[dreg:$0x1] =	wrdreg $0xFFFFFFFF  }
0xae: {  	[dreg:$0x0] =	wrdreg $0x60  }
0xaf: {  	[dreg:$0x2] =	wrdreg s2  }
0xb0: {  	[dreg:$0x3] =	wrdreg s24  }
0xb1: {  	[dreg:$0x4] =	wrdreg s18  }
0xb2: {  	[dreg:$0x5] =	wrdreg $0xC7800  }
0xb3: {  	[dreg:$0x6] =	wrdreg $0x9  }
0xb4: {  	_ =	task.clear_ibuf [dreg:s8], $0x7FFFF;
	_ =	strace $0x90000046  }
0xb5: {  	s29 =	simm.s32 $0x9;
	_ =	strace $0x80000048  }
0xb6: {  	_ =	swait.ge [sflag:s29], $0x1  }
0xb7: {  	[sflag:s29] =	ssyncadd.s32 $0xFFFFFFFF  }
0xb8: {  	_ =	strace $0x90000048  }
0xb9: {  	_ =	sfence  }
0xba: {  	s30 =	sld [smem:$0x0];
	_ =	sdelay $0x2  }
0xbb: {  	s31 =	sshll.u32 s1, $0xD;
	s1 =	sshrl.u32 s1, $0x2  }
0xbc: {  	s3 =	sand.u32 $0x4000, s31;
	s1 =	sadd.s32 s1, s30  }
0xbd: {  	s0 =	sor.u32 s3, s0;
	s1 =	sshll.u32 s1, $0x11  }
0xbe: {  	s0 =	sor.u32 s1, s0  }
0xbf: {  	s0 =	sadd.s32 $0x8F2B, s0  }
0xc0: {  	[sflag:s0] =	ssyncadd.remote.s32 $0x1  }
0xc1: {  	_ =	sfence.sel $0xFFFF  }
0xc2: {  	[dreg:$0x0] =	wrdreg $0xFFFFFFFF;
	(pc) =	sbr.abs _section_cstart, $3  }
0xc3: {  	[dreg:$0x1] =	wrdreg $0xFFFFFFFF  }
0xc4: {  	_ =	task.clear_ibuf [dreg:s8], $0x2FFFF;
	_ =	strace $0x9FFFFFFF  }
0xc5: {  	(tm) =	ssettm $0x7FFFFFFF  }
tec
execute0_lowered:
.L_overlay_start_1:
0x0: {  	(tag) =	ssettag $0x1  }
0x1: {  	s0 =	rddreg [dreg:$0x0]  }
0x2: {  	s4 =	rddreg [dreg:$0x1]  }
0x3: {  	s6 =	rddreg [dreg:$0x2]  }
0x4: {  	s1 =	rddreg [dreg:$0x3]  }
0x5: {  	s2 =	srdreg.scid;
	s9 =	stileid.u32;
	s17 =	simm.s32 $0xA  }
0x6: {  	s28 =	simm.s32 $0x9;
	s29 =	simm.s32 $0x5;
	s8 =	smul.u32 $0x2710, s9  }
0x7: {  	s30 =	simm.s32 $0x3;
	s31 =	simm.s32 $0x6;
	s11 =	smul.u32 $0x4E000, s9  }
0x8: {  	s7 =	sand.u32 $0x1, s2;
	s2 =	simm.s32 $0x0;
	s18 =	smul.u32 $0x2700, s9  }
0x9: {  	s21 =	sshll.u32 s9, $0x6;
	s16 =	sadd.s32 $0x138000, s1;
	s24 =	smul.u32 $0x27100, s9  }
0xa: {  	p0 =	sne.s32 s9, $0x0;
	s3 =	smul.u32 $0x27100, s7;
	s5 =	ssub.s32 $0x2, s7  }
0xb: {  	[smem:$0x7FF] =	sst s2;
	s7 =	smul.u32 $0x271000, s7;
	s16 =	sshrl.u32 @!p0 s16, $0x3  }
0xc: {  	s10 =	sshrl.u32 s5, $0x1;
	_ =	strace $0x80000047;
	s19 =	sshrl.u32 s11, $0x2  }
0xd: {  	s13 =	ssub.s32 s5, s10;
	s8 =	sadd.s32 s8, s3;
	s3 =	sadd.s32 s0, s3  }
0xe: {  	s20 =	sadd.s32 s19, s1;
	s19 =	simm.s32 $0x2780;
	s0 =	simm.s32 $0x4  }
0xf: {  	s5 =	sadd.s32 s18, s3;
	s22 =	sadd.s32 $0x27000, s3;
	s23 =	sshrl.u32 s8, $0x3  }
0x10: {  	s8 =	sshll.u32 s8, $0x4;
	s13 =	smax.u32 s13, $0x1;
	s15 =	sshrl.u32 s20, $0x3  }
0x11: {  	s18 =	simm.s32 $0x50;
	s20 =	simm.s32 $0x4F80;
	[dreg:$0x5] =	wrdreg s5  }
0x12: {  	s5 =	sor.u32 $0x1C09, s21;
	[dreg:$0x6] =	wrdreg s22;
	s4 =	sadd.s32 s4, s23  }
0x13: {  	s8 =	sadd.s32 s6, s8;
	s6 =	sadd.s32 s7, s6;
	s22 =	simm.s32 $0x7780  }
0x14: {  	s23 =	simm.s32 $0x1;
	s21 =	simm.s32 $0x7;
	[dreg:$0x7] =	wrdreg s4  }
0x15: {  	s25 =	sadd.s32 $0x500, s8;
	s26 =	sadd.s32 $0x26200, s8;
	s11 =	sadd.s32 $0x26700, s8  }
0x16: {  	s12 =	sadd.s32 $0x26C00, s8;
	s4 =	sadd.s32 s24, s6;
	[dreg:$0x8] =	wrdreg s25  }
0x17: {  	s24 =	simm.s32 $0x8;
	[dreg:$0x9] =	wrdreg s26;
	s14 =	sadd.s32 $0xF00, s4  }
0x18: {  	s25 =	simm.s32 $0x9F80;
	s26 =	simm.s32 $0x2;
	s4 =	simm.s32 $0x0  }
.LBB2_1:
0x19: {  	s6 =	rddreg [dreg:$0x5]  }
0x1a: {  	[spmem:s15], [sflag:s5] =	dma.local [hbm:s6], $0x2700  }
0x1b: {  	s6 =	rddreg [dreg:$0x6]  }
0x1c: {  	[spmem:s16], [sflag:s5] =	dma.local @!p0 [hbm:s6], $0x100  }
0x1d: {  	s6 =	rddreg [dreg:$0x7]  }
0x1e: {  	[tilespmem:s2], [sflag:$0xA] =	stream.linear.gather [hbm4b:s6+s2], $0x2710, $0x38;
	v63 =	vld [tilespmem:$0x0]  }
0x1f: {  	_ =	swait.ge [sflag:s17], $0x2710  }
0x20: {  	[sflag:s17] =	ssyncset.done $0x0  }
0x21: {  	[sflag:s17] =	ssyncadd.s32 $0xFFFFD8F0  }
0x22: {  	[tilespmem:s19], [sflag:$0x1] =	stream.indirect.gather [hbm4b:s3+s18], $0x80, s2, s18, $0xb8;
	v63 =	vld [tilespmem:$0x0]  }
0x23: {  	_ = 	snop  }
0x24: {  	[tilespmem:s20], [sflag:$0x2] =	stream.indirect.gather [hbm4b:s3+s18], $0x80, s18, s18, $0xb8;
	v63 =	vld [tilespmem:$0x0]  }
0x25: {  	s7 =	simm.s32 $0xA0  }
0x26: {  	[tilespmem:s22], [sflag:$0x3] =	stream.indirect.gather [hbm4b:s3+s18], $0x80, s7, s18, $0xb8;
	v63 =	vld [tilespmem:$0x0]  }
0x27: {  	_ =	swait.ge [sflag:s23], $0x2800  }
0x28: {  	[sflag:s23] =	ssyncset.done $0x0  }
0x29: {  	[sflag:s23] =	ssyncadd.s32 $0xFFFFD800  }
0x2a: {  	[hbm4b:s8+s2] =	stream.linear.scatter [tilespmem:s19], [sflag:$0x5], $0x2800, $0x38;
	v63 =	vld [tilespmem:$0x0]  }
0x2b: {  	s9 =	simm.s32 $0xF0  }
0x2c: {  	[tilespmem:s25], [sflag:$0x4] =	stream.indirect.gather [hbm4b:s3+s18], $0x80, s9, s18, $0xb8;
	v63 =	vld [tilespmem:$0x0]  }
0x2d: {  	_ =	swait.ge [sflag:s26], $0x2800  }
0x2e: {  	[sflag:s26] =	ssyncset.done $0x0  }
0x2f: {  	s10 =	rddreg [dreg:$0x8];
	[sflag:s26] =	ssyncadd.s32 $0xFFFFD800  }
0x30: {  	[hbm4b:s10+s2] =	stream.linear.scatter [tilespmem:s20], [sflag:$0x6], $0x2800, $0x38;
	v63 =	vld [tilespmem:$0x0]  }
0x31: {  	_ =	swait.ge [sflag:s28], $0x2700  }
0x32: {  	[sflag:s28] =	ssyncset.done $0x0  }
0x33: {  	s6 =	simm.s32 @!p0 $0x9;
	[sflag:s28] =	ssyncadd.s32 $0xFFFFD900  }
0x34: {  	_ =	swait.ge @!p0 [sflag:s6], $0x100  }
0x35: {  	[sflag:s6] =	ssyncset.done @!p0 $0x0  }
0x36: {  	[sflag:s6] =	ssyncadd.s32 @!p0 $0xFFFFFF00  }
0x37: {  	[bflag:$0x0] =	sbarrier.arrive $0xFFFF  }
0x38: {  	_ =	swait.ge [sflag:s29], $0x2800  }
0x39: {  	[sflag:s29] =	ssyncset.done $0x0  }
0x3a: {  	s7 =	simm.s32 $0x140;
	[sflag:s29] =	ssyncadd.s32 $0xFFFFD800  }
0x3b: {  	[tilespmem:s19], [sflag:$0x1] =	stream.indirect.gather [spmem:s1], $0x80, s7, s18, $0xb8;
	v63 =	vld [tilespmem:$0x0]  }
0x3c: {  	_ =	swait.ge [sflag:s30], $0x2800  }
0x3d: {  	[sflag:s30] =	ssyncset.done $0x0  }
0x3e: {  	s9 =	sadd.s32 $0xFFFFFB00, s14;
	[sflag:s30] =	ssyncadd.s32 $0xFFFFD800  }
0x3f: {  	[hbm4b:s9+s2] =	stream.linear.scatter [tilespmem:s22], [sflag:$0x7], $0x2800, $0x38;
	v63 =	vld [tilespmem:$0x0]  }
0x40: {  	_ =	swait.ge [sflag:s31], $0x2800  }
0x41: {  	[sflag:s31] =	ssyncset.done $0x0  }
0x42: {  	s10 =	simm.s32 $0x190;
	[sflag:s31] =	ssyncadd.s32 $0xFFFFD800  }
0x43: {  	[tilespmem:s20], [sflag:$0x2] =	stream.indirect.gather [spmem:s1], $0x80, s10, s18, $0xb8;
	v63 =	vld [tilespmem:$0x0]  }
0x44: {  	_ =	swait.ge [sflag:s0], $0x2800  }
0x45: {  	[sflag:s0] =	ssyncset.done $0x0  }
0x46: {  	[sflag:s0] =	ssyncadd.s32 $0xFFFFD800  }
0x47: {  	[hbm4b:s14+s2] =	stream.linear.scatter [tilespmem:s25], [sflag:$0x8], $0x2800, $0x38;
	v63 =	vld [tilespmem:$0x0]  }
0x48: {  	_ =	swait.ge [sflag:s21], $0x2800  }
0x49: {  	[sflag:s21] =	ssyncset.done $0x0  }
0x4a: {  	s7 =	simm.s32 $0x1E0;
	[sflag:s21] =	ssyncadd.s32 $0xFFFFD800  }
0x4b: {  	[tilespmem:s22], [sflag:$0x3] =	stream.indirect.gather [spmem:s1], $0x80, s7, s18, $0xb8;
	v63 =	vld [tilespmem:$0x0]  }
0x4c: {  	_ =	swait.ge [sflag:s23], $0x2800  }
0x4d: {  	[sflag:s23] =	ssyncset.done $0x0  }
0x4e: {  	s9 =	sadd.s32 $0x500, s14;
	[sflag:s23] =	ssyncadd.s32 $0xFFFFD800  }
0x4f: {  	[hbm4b:s9+s2] =	stream.linear.scatter [tilespmem:s19], [sflag:$0x5], $0x2800, $0x38;
	v63 =	vld [tilespmem:$0x0]  }
0x50: {  	_ =	swait.ge [sflag:s24], $0x2800  }
0x51: {  	[sflag:s24] =	ssyncset.done $0x0  }
0x52: {  	s10 =	simm.s32 $0x230;
	[sflag:s24] =	ssyncadd.s32 $0xFFFFD800  }
0x53: {  	[tilespmem:s25], [sflag:$0x4] =	stream.indirect.gather [spmem:s1], $0x80, s10, s18, $0xb8;
	v63 =	vld [tilespmem:$0x0]  }
0x54: {  	_ =	swait.ge [sflag:s26], $0x2800  }
0x55: {  	s6 =	simm.s32 $0x500;
	[sflag:s26] =	ssyncset.done $0x0  }
0x56: {  	s7 =	sadd.s32 $0x1400, s14;
	s9 =	sadd.s32 $0xA00, s14;
	[sflag:s26] =	ssyncadd.s32 $0xFFFFD800  }
.LBB2_2:
0x57: {  	[hbm4b:s9+s2] =	stream.linear.scatter [tilespmem:s20], [sflag:$0x6], $0x2800, $0x38;
	v63 =	vld [tilespmem:$0x0]  }
0x58: {  	s9 =	smov.u32 s6  }
0x59: {  	p1 =	sne.s32 s6, $0x9100;
	s6 =	sadd.s32 $0x500, s6;
	_ =	swait.ge [sflag:s29], $0x2800  }
0x5a: {  	s9 =	sshra.s32 s9, $0x2;
	[sflag:s29] =	ssyncset.done $0x0  }
0x5b: {  	s10 =	sadd.s32 $0x140, s9;
	[sflag:s29] =	ssyncadd.s32 $0xFFFFD800  }
0x5c: {  	[tilespmem:s19], [sflag:$0x1] =	stream.indirect.gather [spmem:s1], $0x80, s10, s18, $0xb8;
	v63 =	vld [tilespmem:$0x0]  }
0x5d: {  	_ =	swait.ge [sflag:s30], $0x2800  }
0x5e: {  	[sflag:s30] =	ssyncset.done $0x0  }
0x5f: {  	s10 =	sadd.s32 $0xFFFFFB00, s7;
	[sflag:s30] =	ssyncadd.s32 $0xFFFFD800  }
0x60: {  	[hbm4b:s10+s2] =	stream.linear.scatter [tilespmem:s22], [sflag:$0x7], $0x2800, $0x38;
	v63 =	vld [tilespmem:$0x0]  }
0x61: {  	_ =	swait.ge [sflag:s31], $0x2800  }
0x62: {  	[sflag:s31] =	ssyncset.done $0x0  }
0x63: {  	s10 =	sadd.s32 $0x190, s9;
	[sflag:s31] =	ssyncadd.s32 $0xFFFFD800  }
0x64: {  	[tilespmem:s20], [sflag:$0x2] =	stream.indirect.gather [spmem:s1], $0x80, s10, s18, $0xb8;
	v63 =	vld [tilespmem:$0x0]  }
0x65: {  	_ =	swait.ge [sflag:s0], $0x2800  }
0x66: {  	[sflag:s0] =	ssyncset.done $0x0  }
0x67: {  	[sflag:s0] =	ssyncadd.s32 $0xFFFFD800  }
0x68: {  	[hbm4b:s7+s2] =	stream.linear.scatter [tilespmem:s25], [sflag:$0x8], $0x2800, $0x38;
	v63 =	vld [tilespmem:$0x0]  }
0x69: {  	_ =	swait.ge [sflag:s21], $0x2800  }
0x6a: {  	[sflag:s21] =	ssyncset.done $0x0  }
0x6b: {  	s10 =	sadd.s32 $0x1E0, s9;
	[sflag:s21] =	ssyncadd.s32 $0xFFFFD800  }
0x6c: {  	[tilespmem:s22], [sflag:$0x3] =	stream.indirect.gather [spmem:s1], $0x80, s10, s18, $0xb8;
	v63 =	vld [tilespmem:$0x0]  }
0x6d: {  	_ =	swait.ge [sflag:s23], $0x2800  }
0x6e: {  	[sflag:s23] =	ssyncset.done $0x0  }
0x6f: {  	s10 =	sadd.s32 $0x500, s7;
	[sflag:s23] =	ssyncadd.s32 $0xFFFFD800  }
0x70: {  	[hbm4b:s10+s2] =	stream.linear.scatter [tilespmem:s19], [sflag:$0x5], $0x2800, $0x38;
	v63 =	vld [tilespmem:$0x0]  }
0x71: {  	_ =	swait.ge [sflag:s24], $0x2800  }
0x72: {  	[sflag:s24] =	ssyncset.done $0x0  }
.Ltmp0:
0x73: {  	s9 =	sadd.s32 $0x230, s9;
	[sflag:s24] =	ssyncadd.s32 $0xFFFFD800;
	(pc) =	sbr.rel @p1 .LBB2_2-.Ltmp0, $4  }
0x74: {  	[tilespmem:s25], [sflag:$0x4] =	stream.indirect.gather [spmem:s1], $0x80, s9, s18, $0xb8;
	v63 =	vld [tilespmem:$0x0]  }
0x75: {  	_ =	swait.ge [sflag:s26], $0x2800  }
0x76: {  	[sflag:s26] =	ssyncset.done $0x0  }
0x77: {  	s9 =	sadd.s32 $0xA00, s7;
	s7 =	sadd.s32 $0x1400, s7;
	[sflag:s26] =	ssyncadd.s32 $0xFFFFD800  }
0x78: {  	[hbm4b:s9+s2] =	stream.linear.scatter [tilespmem:s20], [sflag:$0x6], $0x2800, $0x38;
	v63 =	vld [tilespmem:$0x0]  }
0x79: {  	_ =	swait.ge [sflag:s29], $0x2800  }
0x7a: {  	[sflag:s29] =	ssyncset.done $0x0  }
0x7b: {  	s6 =	simm.s32 $0x26C0;
	[sflag:s29] =	ssyncadd.s32 $0xFFFFD800  }
0x7c: {  	[tilespmem:s19], [sflag:$0x1] =	stream.indirect.gather [spmem:s1], $0x80, s6, s18, $0xb8;
	v63 =	vld [tilespmem:$0x0]  }
0x7d: {  	_ =	swait.ge [sflag:s30], $0x2800  }
0x7e: {  	[sflag:s30] =	ssyncset.done $0x0  }
0x7f: {  	s10 =	rddreg [dreg:$0x9];
	[sflag:s30] =	ssyncadd.s32 $0xFFFFD800  }
0x80: {  	[hbm4b:s10+s2] =	stream.linear.scatter [tilespmem:s22], [sflag:$0x7], $0x2800, $0x38;
	v63 =	vld [tilespmem:$0x0]  }
0x81: {  	_ =	swait.ge [sflag:s0], $0x2800  }
0x82: {  	[sflag:s0] =	ssyncset.done $0x0  }
0x83: {  	[sflag:s0] =	ssyncadd.s32 $0xFFFFD800  }
0x84: {  	[hbm4b:s11+s2] =	stream.linear.scatter [tilespmem:s25], [sflag:$0x8], $0x2800, $0x38;
	v63 =	vld [tilespmem:$0x0]  }
0x85: {  	_ =	swait.ge [sflag:s23], $0x2800  }
0x86: {  	[sflag:s23] =	ssyncset.done $0x0  }
0x87: {  	[sflag:s23] =	ssyncadd.s32 $0xFFFFD800  }
0x88: {  	[hbm4b:s12+s2] =	stream.linear.scatter [tilespmem:s19], [sflag:$0x5], $0x2800, $0x38;
	v63 =	vld [tilespmem:$0x0]  }
0x89: {  	_ =	swait.ge [sflag:s31], $0x2800  }
0x8a: {  	[sflag:s31] =	ssyncset.done $0x0  }
0x8b: {  	[sflag:s31] =	ssyncadd.s32 $0xFFFFD800  }
0x8c: {  	_ =	swait.ge [sflag:s21], $0x2800  }
0x8d: {  	[sflag:s21] =	ssyncset.done $0x0  }
0x8e: {  	s4 =	sadd.s32 $0x1, s4;
	[sflag:s21] =	ssyncadd.s32 $0xFFFFD800  }
0x8f: {  	p1 =	sne.s32 s4, s13;
	_ =	swait.ge [sflag:s24], $0x2800  }
.Ltmp1:
0x90: {  	[sflag:s24] =	ssyncset.done $0x0;
	(pc) =	sbr.rel @p1 .LBB2_1-.Ltmp1, $4  }
0x91: {  	[sflag:s24] =	ssyncadd.s32 $0xFFFFD800  }
0x92: {  	_ =	swait.ge [sflag:s29], $0x2800  }
0x93: {  	[sflag:s29] =	ssyncset.done $0x0  }
0x94: {  	[sflag:s29] =	ssyncadd.s32 $0xFFFFD800  }
0x95: {  	_ =	sfence.sel $0x180000  }
0x96: {  	[bflag:$0x0] =	sbarrier.arrive $0xFFFF  }
0x97: {  	_ =	strace $0x90000047  }
0x98: {  	[bflag:$0x2] =	sbarrier.arrive $0xFFFF  }
0x99: {  	s0 =	rddreg [dreg:$0x4]  }
0x9a: {  	s0 =	sadd.s32 @!p0 $0x100000, s0  }
0x9b: {  	[sflag:s0] =	ssyncadd.tile.s32 @!p0 $0x1;
	_ =	shalt  }
.Lfunc_end2:
_tile_overlayer_lowered:
.L_overlay_start_2:
0x9c: {  	(tag) =	ssettag $0x2  }
0x9d: {  	s0 =	rddreg [dreg:$0x0];
	s2 =	stileid.u32  }
0x9e: {  	s1 =	rddreg [dreg:$0x1];
	p0 =	sne.s32 s2, $0x0  }
0x9f: {  	s3 =	rddreg [dreg:$0x2];
	[bflag:$0x3] =	sbarrier.arrive $0xFFFF;
	s2 =	simm.s32 @!p0 $0x1C0A  }
0xa0: {  	[timem:s3], [sflag:s2] =	dma.local @!p0 [hbm:s0], s1  }
0xa1: {  	s0 =	simm.s32 @!p0 $0xA  }
0xa2: {  	_ =	swait.ge @!p0 [sflag:s0], s1  }
0xa3: {  	s1 =	ssub.s32 @!p0 $0x0, s1;
	[sflag:s0] =	ssyncset.done @!p0 $0x0  }
0xa4: {  	[sflag:s0] =	ssyncadd.s32 @!p0 s1  }
0xa5: {  	[bflag:$0x3] =	sbarrier.arrive $0xFFFF  }
0xa6: {  	_ =	shalt  }

</sc_bundles>
